<compile_context>
chip_gen: v7x
topology: tpu7x:2x2x1
jax: 0.10.2.dev20260603
libtpu: 0.0.44.dev20260713+nightly
codegen_flags: <defaults>
</compile_context>

<pallas_src>
import functools

import jax
import jax.numpy as jnp
from jax import lax
from jax.experimental import pallas as pl
from jax.experimental.pallas import tpu as pltpu
from jax.experimental.pallas import tpu_sc as plsc

N_ROWS = 32000
NUM_CLASSES = 81
PAD_ROWS = 32768
NC, NS = 2, 16
NW = NC * NS
ROWS_PER_W = PAD_ROWS // NW
ELEMS_PER_W = ROWS_PER_W * 4
TBL_ELEMS = N_ROWS * NUM_CLASSES * 4


def _sc_loss_body(cid_hbm, boxes_hbm, ypred_hbm, out_hbm,
                  cid_v, boxes_v, idx_v, preds_v, stage_v, sem):
    c = lax.axis_index("c")
    s = lax.axis_index("s")
    wid = c * NS + s
    base_row = wid * ROWS_PER_W

    pltpu.sync_copy(cid_hbm.at[pl.ds(base_row, ROWS_PER_W)], cid_v)
    for comp in range(4):
        pltpu.sync_copy(
            boxes_hbm.at[pl.ds(comp * PAD_ROWS + base_row, ROWS_PER_W)],
            boxes_v.at[pl.ds(comp * ROWS_PER_W, ROWS_PER_W)],
        )

    iota = lax.iota(jnp.int32, 16)

    def idx_body(v, _):
        cid16 = cid_v[pl.ds(v * 16, 16)]
        grow = base_row + v * 16 + iota
        ridx4 = jnp.minimum((grow * NUM_CLASSES + cid16) * 4, TBL_ELEMS - 4)
        for comp in range(4):
            idx_v[pl.ds(comp * ROWS_PER_W + v * 16, 16)] = ridx4 + comp
        return 0

    lax.fori_loop(0, ROWS_PER_W // 16, idx_body, 0)

    for j in range(ELEMS_PER_W // 128):
        pltpu.async_copy(
            ypred_hbm.at[idx_v.at[pl.ds(j * 128, 128)]],
            preds_v.at[pl.ds(j * 128, 128)],
            sem,
        ).wait()

    def loss_body(v, carry):
        acc, cacc = carry
        cid16 = cid_v[pl.ds(v * 16, 16)]
        m = jnp.minimum(cid16, 1).astype(jnp.float32)
        cacc = cacc + m
        for comp in range(4):
            pred = preds_v[pl.ds(comp * ROWS_PER_W + v * 16, 16)]
            box = boxes_v[pl.ds(comp * ROWS_PER_W + v * 16, 16)]
            diff = jnp.abs(box - pred)
            dlo = jnp.minimum(diff, 1.0)
            loss = 0.5 * dlo * dlo + jnp.maximum(diff, 1.0) - 1.0
            acc = acc + loss * m
        return acc, cacc

    zeros = jnp.zeros((16,), jnp.float32)
    acc, cacc = lax.fori_loop(0, ROWS_PER_W // 16, loss_body, (zeros, zeros))

    stage_v[0, :] = acc
    stage_v[1, :] = cacc * 4.0
    pltpu.sync_copy(stage_v, out_hbm.at[wid])


_sc_loss = functools.partial(
    pl.kernel,
    mesh=plsc.VectorSubcoreMesh(core_axis_name="c", subcore_axis_name="s"),
    out_type=jax.ShapeDtypeStruct((NW, 2, 16), jnp.float32),
    scratch_types=[
        pltpu.VMEM((ROWS_PER_W,), jnp.int32),
        pltpu.VMEM((ELEMS_PER_W,), jnp.float32),
        pltpu.VMEM((ELEMS_PER_W,), jnp.int32),
        pltpu.VMEM((ELEMS_PER_W,), jnp.float32),
        pltpu.VMEM((2, 16), jnp.float32),
        pltpu.SemaphoreType.DMA,
    ],
)(_sc_loss_body)


@jax.jit
def kernel(target_bounding_box, target_class_ids, y_pred):
    cid = target_class_ids.reshape(-1).astype(jnp.int32)
    cid = jnp.pad(cid, (0, PAD_ROWS - N_ROWS))
    boxes = target_bounding_box.reshape(-1, 4)
    boxes = jnp.pad(boxes, ((0, PAD_ROWS - N_ROWS), (0, 0)))
    boxes_soa = boxes.T.reshape(-1)
    ypred_flat = y_pred.reshape(-1)

    out = _sc_loss(cid, boxes_soa, ypred_flat)
    total = jnp.sum(out[:, 0, :])
    cnt = jnp.sum(out[:, 1, :])
    return jnp.where(cnt > 0, total / cnt, jnp.float32(0.0))

# --- scband reference (transcript-rebuilt; emitter-appended) ---
"""Pipeline reference for scband-bounding-box-loss-3856880631998 (READ-ONLY COPY).

The authoritative reference and input builder live on the scoring server;
editing this copy changes nothing except your own understanding.
"""

import jax, jax.numpy as jnp
import numpy as np


def smooth_l1(y_true, y_pred):
    diff = jnp.abs(y_true - y_pred)
    less_than_one = (diff < 1.0).astype(jnp.float32)
    return less_than_one * 0.5 * diff ** 2 + (1.0 - less_than_one) * (diff - 0.5)


def setup_inputs(seed: int = 0):
    key = jax.random.key(seed)
    k1, k2, k3 = jax.random.split(key, 3)
    batch, num_rois, num_classes = 16, 2000, 81
    target_bounding_box = jax.random.normal(k1, (batch, num_rois, 4), dtype=jnp.float32)
    target_class_ids = jax.random.randint(k2, (batch, num_rois), 0, num_classes).astype(jnp.int64)
    y_pred = jax.random.normal(k3, (batch, num_rois, num_classes, 4), dtype=jnp.float32)
    return {
        "target_bounding_box": target_bounding_box,
        "target_class_ids": target_class_ids,
        "y_pred": y_pred,
    }


def reference(target_bounding_box, target_class_ids, y_pred):
    # resize_targets
    class_ids = target_class_ids.reshape(-1)
    boxes = target_bounding_box.reshape(-1, 4)
    # fixed-shape positive mask instead of dynamic nonzero gather
    positive_mask = (class_ids > 0).astype(jnp.float32)
    # gather predicted box for each row's target class (all rows, fixed shape)
    num_classes = y_pred.shape[2]
    predicted_boxes = y_pred.reshape(-1, num_classes, 4)
    row_indices = jnp.arange(predicted_boxes.shape[0])
    predicted_boxes = predicted_boxes[row_indices, class_ids]
    # smooth L1 loss over all rows, masked mean over positives
    loss = smooth_l1(boxes, predicted_boxes)
    mask = positive_mask[:, None]
    num_positive_elements = jnp.sum(positive_mask) * loss.shape[1]
    total = jnp.sum(loss * mask)
    loss = jnp.where(
        num_positive_elements > 0,
        total / num_positive_elements,
        jnp.asarray(0.0, dtype=jnp.float32),
    )
    return loss

if __name__ == "__main__":
    import jax
    _d = setup_inputs()
    print(jax.jit(kernel)(*tuple(_d.values())))

</pallas_src>

<mosaic_0001>
#map = affine_map<(d0, d1) -> (0)>
#map1 = affine_map<(d0, d1) -> (0, 0, 0)>
module attributes {stable_mosaic.version = 14 : i64} {
  func.func @_sc_loss_body(%arg0: i32, %arg1: i32, %arg2: memref<32768xi32, #tpu.memory_space<hbm>>, %arg3: memref<131072xf32, #tpu.memory_space<hbm>>, %arg4: memref<10368000xf32, #tpu.memory_space<hbm>>, %arg5: memref<32x2x16xf32, #tpu.memory_space<hbm>>, %arg6: memref<1024xi32, #tpu.memory_space<vmem>>, %arg7: memref<4096xf32, #tpu.memory_space<vmem>>, %arg8: memref<4096xi32, #tpu.memory_space<vmem>>, %arg9: memref<4096xf32, #tpu.memory_space<vmem>>, %arg10: memref<2x16xf32, #tpu.memory_space<vmem>>, %arg11: memref<!tpu.dma_semaphore, #tpu.memory_space<semaphore_mem>>) attributes {dimension_semantics = [#tpu.dimension_semantics<core_parallel>, #tpu.dimension_semantics<subcore_parallel>], iteration_bounds = array<i64: 2, 16>, scalar_prefetch = 0 : i64, scratch_operands = 6 : i64, tpu.core_type = #tpu.core_type<sc_vector_subcore>, window_params = [{transform_indices = #map}, {transform_indices = #map}, {transform_indices = #map}, {transform_indices = #map1}]} {
    %mul3A = arith.constant 16 : i32
    %mul3A_0 = arith.muli %arg0, %mul3A : i32
    %add3A = arith.addi %mul3A_0, %arg1 : i32
    %mul3A_1 = arith.constant 1024 : i32
    %mul3A_2 = arith.muli %add3A, %mul3A_1 : i32
    "tpu.region"() ({
      %run_scoped3A = tpu.sem_alloc : memref<!tpu.dma_semaphore, #tpu.memory_space<semaphore_mem>>
      %dma_start3A_420 = tpu.memref_slice %arg2[%mul3A_2] : memref<32768xi32, #tpu.memory_space<hbm>> -> memref<1024xi32, #tpu.memory_space<hbm>>
      %dma_start3A_421 = tpu.memref_slice %arg2[%mul3A_2] : memref<32768xi32, #tpu.memory_space<hbm>> -> memref<1024xi32, #tpu.memory_space<hbm>>
      tpu.enqueue_dma source(%dma_start3A_421 : memref<1024xi32, #tpu.memory_space<hbm>>) target(%arg6 : memref<1024xi32, #tpu.memory_space<vmem>>) target_semaphore(%run_scoped3A : memref<!tpu.dma_semaphore, #tpu.memory_space<semaphore_mem>>)
      %dma_wait3A_422 = tpu.memref_slice %arg2[%mul3A_2] : memref<32768xi32, #tpu.memory_space<hbm>> -> memref<1024xi32, #tpu.memory_space<hbm>>
      %dma_wait3A_423 = tpu.memref_slice %arg2[%mul3A_2] : memref<32768xi32, #tpu.memory_space<hbm>> -> memref<1024xi32, #tpu.memory_space<hbm>>
      tpu.wait_dma2 semaphore(%run_scoped3A : memref<!tpu.dma_semaphore, #tpu.memory_space<semaphore_mem>>) src(%dma_wait3A_423 : memref<1024xi32, #tpu.memory_space<hbm>>) dst(%arg6 : memref<1024xi32, #tpu.memory_space<vmem>>)
      tpu.yield
    }) : () -> ()
    %add3A_3 = arith.constant 0 : i32
    %add3A_4 = arith.addi %add3A_3, %mul3A_2 : i32
    "tpu.region"() ({
      %run_scoped3A = tpu.sem_alloc : memref<!tpu.dma_semaphore, #tpu.memory_space<semaphore_mem>>
      %dma_start3A_420 = arith.constant 0 : i32
      %dma_start3A_421 = tpu.memref_slice %arg7[%dma_start3A_420] : memref<4096xf32, #tpu.memory_space<vmem>> -> memref<1024xf32, #tpu.memory_space<vmem>>
      %dma_start3A_422 = tpu.memref_slice %arg3[%add3A_4] : memref<131072xf32, #tpu.memory_space<hbm>> -> memref<1024xf32, #tpu.memory_space<hbm>>
      %dma_start3A_423 = arith.constant 0 : i32
      %dma_start3A_424 = tpu.memref_slice %arg7[%dma_start3A_423] : memref<4096xf32, #tpu.memory_space<vmem>> -> memref<1024xf32, #tpu.memory_space<vmem>>
      %dma_start3A_425 = tpu.memref_slice %arg3[%add3A_4] : memref<131072xf32, #tpu.memory_space<hbm>> -> memref<1024xf32, #tpu.memory_space<hbm>>
      tpu.enqueue_dma source(%dma_start3A_425 : memref<1024xf32, #tpu.memory_space<hbm>>) target(%dma_start3A_424 : memref<1024xf32, #tpu.memory_space<vmem>>) target_semaphore(%run_scoped3A : memref<!tpu.dma_semaphore, #tpu.memory_space<semaphore_mem>>)
      %dma_wait3A_426 = arith.constant 0 : i32
      %dma_wait3A_427 = tpu.memref_slice %arg7[%dma_wait3A_426] : memref<4096xf32, #tpu.memory_space<vmem>> -> memref<1024xf32, #tpu.memory_space<vmem>>
      %dma_wait3A_428 = tpu.memref_slice %arg3[%add3A_4] : memref<131072xf32, #tpu.memory_space<hbm>> -> memref<1024xf32, #tpu.memory_space<hbm>>
      %dma_wait3A_429 = arith.constant 0 : i32
      %dma_wait3A_430 = tpu.memref_slice %arg7[%dma_wait3A_429] : memref<4096xf32, #tpu.memory_space<vmem>> -> memref<1024xf32, #tpu.memory_space<vmem>>
      %dma_wait3A_431 = tpu.memref_slice %arg3[%add3A_4] : memref<131072xf32, #tpu.memory_space<hbm>> -> memref<1024xf32, #tpu.memory_space<hbm>>
      tpu.wait_dma2 semaphore(%run_scoped3A : memref<!tpu.dma_semaphore, #tpu.memory_space<semaphore_mem>>) src(%dma_wait3A_431 : memref<1024xf32, #tpu.memory_space<hbm>>) dst(%dma_wait3A_430 : memref<1024xf32, #tpu.memory_space<vmem>>)
      tpu.yield
    }) : () -> ()
    %add3A_5 = arith.constant 32768 : i32
    %add3A_6 = arith.addi %add3A_5, %mul3A_2 : i32
    "tpu.region"() ({
      %run_scoped3A = tpu.sem_alloc : memref<!tpu.dma_semaphore, #tpu.memory_space<semaphore_mem>>
      %dma_start3A_420 = arith.constant 1024 : i32
      %dma_start3A_421 = tpu.memref_slice %arg7[%dma_start3A_420] : memref<4096xf32, #tpu.memory_space<vmem>> -> memref<1024xf32, #tpu.memory_space<vmem>>
      %dma_start3A_422 = tpu.memref_slice %arg3[%add3A_6] : memref<131072xf32, #tpu.memory_space<hbm>> -> memref<1024xf32, #tpu.memory_space<hbm>>
      %dma_start3A_423 = arith.constant 1024 : i32
      %dma_start3A_424 = tpu.memref_slice %arg7[%dma_start3A_423] : memref<4096xf32, #tpu.memory_space<vmem>> -> memref<1024xf32, #tpu.memory_space<vmem>>
      %dma_start3A_425 = tpu.memref_slice %arg3[%add3A_6] : memref<131072xf32, #tpu.memory_space<hbm>> -> memref<1024xf32, #tpu.memory_space<hbm>>
      tpu.enqueue_dma source(%dma_start3A_425 : memref<1024xf32, #tpu.memory_space<hbm>>) target(%dma_start3A_424 : memref<1024xf32, #tpu.memory_space<vmem>>) target_semaphore(%run_scoped3A : memref<!tpu.dma_semaphore, #tpu.memory_space<semaphore_mem>>)
      %dma_wait3A_426 = arith.constant 1024 : i32
      %dma_wait3A_427 = tpu.memref_slice %arg7[%dma_wait3A_426] : memref<4096xf32, #tpu.memory_space<vmem>> -> memref<1024xf32, #tpu.memory_space<vmem>>
      %dma_wait3A_428 = tpu.memref_slice %arg3[%add3A_6] : memref<131072xf32, #tpu.memory_space<hbm>> -> memref<1024xf32, #tpu.memory_space<hbm>>
      %dma_wait3A_429 = arith.constant 1024 : i32
      %dma_wait3A_430 = tpu.memref_slice %arg7[%dma_wait3A_429] : memref<4096xf32, #tpu.memory_space<vmem>> -> memref<1024xf32, #tpu.memory_space<vmem>>
      %dma_wait3A_431 = tpu.memref_slice %arg3[%add3A_6] : memref<131072xf32, #tpu.memory_space<hbm>> -> memref<1024xf32, #tpu.memory_space<hbm>>
      tpu.wait_dma2 semaphore(%run_scoped3A : memref<!tpu.dma_semaphore, #tpu.memory_space<semaphore_mem>>) src(%dma_wait3A_431 : memref<1024xf32, #tpu.memory_space<hbm>>) dst(%dma_wait3A_430 : memref<1024xf32, #tpu.memory_space<vmem>>)
      tpu.yield
    }) : () -> ()
    %add3A_7 = arith.constant 65536 : i32
    %add3A_8 = arith.addi %add3A_7, %mul3A_2 : i32
    "tpu.region"() ({
      %run_scoped3A = tpu.sem_alloc : memref<!tpu.dma_semaphore, #tpu.memory_space<semaphore_mem>>
      %dma_start3A_420 = arith.constant 2048 : i32
      %dma_start3A_421 = tpu.memref_slice %arg7[%dma_start3A_420] : memref<4096xf32, #tpu.memory_space<vmem>> -> memref<1024xf32, #tpu.memory_space<vmem>>
      %dma_start3A_422 = tpu.memref_slice %arg3[%add3A_8] : memref<131072xf32, #tpu.memory_space<hbm>> -> memref<1024xf32, #tpu.memory_space<hbm>>
      %dma_start3A_423 = arith.constant 2048 : i32
      %dma_start3A_424 = tpu.memref_slice %arg7[%dma_start3A_423] : memref<4096xf32, #tpu.memory_space<vmem>> -> memref<1024xf32, #tpu.memory_space<vmem>>
      %dma_start3A_425 = tpu.memref_slice %arg3[%add3A_8] : memref<131072xf32, #tpu.memory_space<hbm>> -> memref<1024xf32, #tpu.memory_space<hbm>>
      tpu.enqueue_dma source(%dma_start3A_425 : memref<1024xf32, #tpu.memory_space<hbm>>) target(%dma_start3A_424 : memref<1024xf32, #tpu.memory_space<vmem>>) target_semaphore(%run_scoped3A : memref<!tpu.dma_semaphore, #tpu.memory_space<semaphore_mem>>)
      %dma_wait3A_426 = arith.constant 2048 : i32
      %dma_wait3A_427 = tpu.memref_slice %arg7[%dma_wait3A_426] : memref<4096xf32, #tpu.memory_space<vmem>> -> memref<1024xf32, #tpu.memory_space<vmem>>
      %dma_wait3A_428 = tpu.memref_slice %arg3[%add3A_8] : memref<131072xf32, #tpu.memory_space<hbm>> -> memref<1024xf32, #tpu.memory_space<hbm>>
      %dma_wait3A_429 = arith.constant 2048 : i32
      %dma_wait3A_430 = tpu.memref_slice %arg7[%dma_wait3A_429] : memref<4096xf32, #tpu.memory_space<vmem>> -> memref<1024xf32, #tpu.memory_space<vmem>>
      %dma_wait3A_431 = tpu.memref_slice %arg3[%add3A_8] : memref<131072xf32, #tpu.memory_space<hbm>> -> memref<1024xf32, #tpu.memory_space<hbm>>
      tpu.wait_dma2 semaphore(%run_scoped3A : memref<!tpu.dma_semaphore, #tpu.memory_space<semaphore_mem>>) src(%dma_wait3A_431 : memref<1024xf32, #tpu.memory_space<hbm>>) dst(%dma_wait3A_430 : memref<1024xf32, #tpu.memory_space<vmem>>)
      tpu.yield
    }) : () -> ()
    %add3A_9 = arith.constant 98304 : i32
    %add3A_10 = arith.addi %add3A_9, %mul3A_2 : i32
    "tpu.region"() ({
      %run_scoped3A = tpu.sem_alloc : memref<!tpu.dma_semaphore, #tpu.memory_space<semaphore_mem>>
      %dma_start3A_420 = arith.constant 3072 : i32
      %dma_start3A_421 = tpu.memref_slice %arg7[%dma_start3A_420] : memref<4096xf32, #tpu.memory_space<vmem>> -> memref<1024xf32, #tpu.memory_space<vmem>>
      %dma_start3A_422 = tpu.memref_slice %arg3[%add3A_10] : memref<131072xf32, #tpu.memory_space<hbm>> -> memref<1024xf32, #tpu.memory_space<hbm>>
      %dma_start3A_423 = arith.constant 3072 : i32
      %dma_start3A_424 = tpu.memref_slice %arg7[%dma_start3A_423] : memref<4096xf32, #tpu.memory_space<vmem>> -> memref<1024xf32, #tpu.memory_space<vmem>>
      %dma_start3A_425 = tpu.memref_slice %arg3[%add3A_10] : memref<131072xf32, #tpu.memory_space<hbm>> -> memref<1024xf32, #tpu.memory_space<hbm>>
      tpu.enqueue_dma source(%dma_start3A_425 : memref<1024xf32, #tpu.memory_space<hbm>>) target(%dma_start3A_424 : memref<1024xf32, #tpu.memory_space<vmem>>) target_semaphore(%run_scoped3A : memref<!tpu.dma_semaphore, #tpu.memory_space<semaphore_mem>>)
      %dma_wait3A_426 = arith.constant 3072 : i32
      %dma_wait3A_427 = tpu.memref_slice %arg7[%dma_wait3A_426] : memref<4096xf32, #tpu.memory_space<vmem>> -> memref<1024xf32, #tpu.memory_space<vmem>>
      %dma_wait3A_428 = tpu.memref_slice %arg3[%add3A_10] : memref<131072xf32, #tpu.memory_space<hbm>> -> memref<1024xf32, #tpu.memory_space<hbm>>
      %dma_wait3A_429 = arith.constant 3072 : i32
      %dma_wait3A_430 = tpu.memref_slice %arg7[%dma_wait3A_429] : memref<4096xf32, #tpu.memory_space<vmem>> -> memref<1024xf32, #tpu.memory_space<vmem>>
      %dma_wait3A_431 = tpu.memref_slice %arg3[%add3A_10] : memref<131072xf32, #tpu.memory_space<hbm>> -> memref<1024xf32, #tpu.memory_space<hbm>>
      tpu.wait_dma2 semaphore(%run_scoped3A : memref<!tpu.dma_semaphore, #tpu.memory_space<semaphore_mem>>) src(%dma_wait3A_431 : memref<1024xf32, #tpu.memory_space<hbm>>) dst(%dma_wait3A_430 : memref<1024xf32, #tpu.memory_space<vmem>>)
      tpu.yield
    }) : () -> ()
    %iota3A = tpu.iota {dimensions = array<i32: 0>} : vector<16xi32>
    %scan3A = arith.constant 0 : i32
    %scan3A_11 = arith.constant 0 : i32
    %scan3A_12 = arith.constant 64 : i32
    %scan3A_13 = arith.addi %scan3A_11, %scan3A_12 : i32
    %scan3A_14 = arith.constant 1 : i32
    %scan3A_15 = scf.for %scan3A_420 = %scan3A_11 to %scan3A_13 step %scan3A_14 iter_args(%scan3A_421 = %scan3A) -> (i32)  : i32 {
      %mul3A_422 = arith.constant 16 : i32
      %mul3A_423 = arith.muli %scan3A_420, %mul3A_422 : i32
      %get3A = arith.index_cast %mul3A_423 : i32 to index
      %get3A_424 = tpu.vector_load %arg6[%get3A] {strides = array<i32>} : memref<1024xi32, #tpu.memory_space<vmem>>, vector<16xi32>,
      %get3A_425 = vector.shape_cast %get3A_424 : vector<16xi32> to vector<16xi32>
      %mul3A_426 = arith.constant 16 : i32
      %mul3A_427 = arith.muli %scan3A_420, %mul3A_426 : i32
      %add3A_428 = arith.addi %mul3A_2, %mul3A_427 : i32
      %add3A_429 = vector.broadcast %add3A_428 : i32 to vector<16xi32>
      %add3A_430 = arith.addi %add3A_429, %iota3A : vector<16xi32>
      %mul3A_431 = arith.constant 81 : i32
      %mul3A_432 = vector.broadcast %mul3A_431 : i32 to vector<16xi32>
      %mul3A_433 = arith.muli %add3A_430, %mul3A_432 : vector<16xi32>
      %add3A_434 = arith.addi %mul3A_433, %get3A_425 : vector<16xi32>
      %mul3A_435 = arith.constant 4 : i32
      %mul3A_436 = vector.broadcast %mul3A_435 : i32 to vector<16xi32>
      %mul3A_437 = arith.muli %add3A_434, %mul3A_436 : vector<16xi32>
      %min3A = arith.constant 10367996 : i32
      %min3A_438 = vector.broadcast %min3A : i32 to vector<16xi32>
      %min3A_439 = arith.minsi %mul3A_437, %min3A_438 : vector<16xi32>
      %add3A_440 = arith.constant 0 : i32
      %add3A_441 = vector.broadcast %add3A_440 : i32 to vector<16xi32>
      %add3A_442 = arith.addi %min3A_439, %add3A_441 : vector<16xi32>
      %mul3A_443 = arith.constant 16 : i32
      %mul3A_444 = arith.muli %scan3A_420, %mul3A_443 : i32
      %add3A_445 = arith.constant 0 : i32
      %add3A_446 = arith.addi %add3A_445, %mul3A_444 : i32
      %swap3A_447 = arith.index_cast %add3A_446 : i32 to index
      %swap3A_448 = tpu.vector_load %arg8[%swap3A_447] {strides = array<i32>} : memref<4096xi32, #tpu.memory_space<vmem>>, vector<16xi32>,
      %swap3A_449 = vector.shape_cast %swap3A_448 : vector<16xi32> to vector<16xi32>
      %swap3A_450 = vector.shape_cast %add3A_442 : vector<16xi32> to vector<16xi32>
      tpu.vector_store %arg8[%swap3A_447], %swap3A_450 {strides = array<i32>} : memref<4096xi32, #tpu.memory_space<vmem>>, vector<16xi32>,
      %add3A_451 = arith.constant 1 : i32
      %add3A_452 = vector.broadcast %add3A_451 : i32 to vector<16xi32>
      %add3A_453 = arith.addi %min3A_439, %add3A_452 : vector<16xi32>
      %mul3A_454 = arith.constant 16 : i32
      %mul3A_455 = arith.muli %scan3A_420, %mul3A_454 : i32
      %add3A_456 = arith.constant 1024 : i32
      %add3A_457 = arith.addi %add3A_456, %mul3A_455 : i32
      %swap3A_458 = arith.index_cast %add3A_457 : i32 to index
      %swap3A_459 = tpu.vector_load %arg8[%swap3A_458] {strides = array<i32>} : memref<4096xi32, #tpu.memory_space<vmem>>, vector<16xi32>,
      %swap3A_460 = vector.shape_cast %swap3A_459 : vector<16xi32> to vector<16xi32>
      %swap3A_461 = vector.shape_cast %add3A_453 : vector<16xi32> to vector<16xi32>
      tpu.vector_store %arg8[%swap3A_458], %swap3A_461 {strides = array<i32>} : memref<4096xi32, #tpu.memory_space<vmem>>, vector<16xi32>,
      %add3A_462 = arith.constant 2 : i32
      %add3A_463 = vector.broadcast %add3A_462 : i32 to vector<16xi32>
      %add3A_464 = arith.addi %min3A_439, %add3A_463 : vector<16xi32>
      %mul3A_465 = arith.constant 16 : i32
      %mul3A_466 = arith.muli %scan3A_420, %mul3A_465 : i32
      %add3A_467 = arith.constant 2048 : i32
      %add3A_468 = arith.addi %add3A_467, %mul3A_466 : i32
      %swap3A_469 = arith.index_cast %add3A_468 : i32 to index
      %swap3A_470 = tpu.vector_load %arg8[%swap3A_469] {strides = array<i32>} : memref<4096xi32, #tpu.memory_space<vmem>>, vector<16xi32>,
      %swap3A_471 = vector.shape_cast %swap3A_470 : vector<16xi32> to vector<16xi32>
      %swap3A_472 = vector.shape_cast %add3A_464 : vector<16xi32> to vector<16xi32>
      tpu.vector_store %arg8[%swap3A_469], %swap3A_472 {strides = array<i32>} : memref<4096xi32, #tpu.memory_space<vmem>>, vector<16xi32>,
      %add3A_473 = arith.constant 3 : i32
      %add3A_474 = vector.broadcast %add3A_473 : i32 to vector<16xi32>
      %add3A_475 = arith.addi %min3A_439, %add3A_474 : vector<16xi32>
      %mul3A_476 = arith.constant 16 : i32
      %mul3A_477 = arith.muli %scan3A_420, %mul3A_476 : i32
      %add3A_478 = arith.constant 3072 : i32
      %add3A_479 = arith.addi %add3A_478, %mul3A_477 : i32
      %swap3A_480 = arith.index_cast %add3A_479 : i32 to index
      %swap3A_481 = tpu.vector_load %arg8[%swap3A_480] {strides = array<i32>} : memref<4096xi32, #tpu.memory_space<vmem>>, vector<16xi32>,
      %swap3A_482 = vector.shape_cast %swap3A_481 : vector<16xi32> to vector<16xi32>
      %swap3A_483 = vector.shape_cast %add3A_475 : vector<16xi32> to vector<16xi32>
      tpu.vector_store %arg8[%swap3A_480], %swap3A_483 {strides = array<i32>} : memref<4096xi32, #tpu.memory_space<vmem>>, vector<16xi32>,
      %scan3A_484 = arith.constant 0 : i32
      scf.yield %scan3A_484 : i32
    }
    %scan3A_16 = arith.constant 64 : i32
    %dma_start3A = arith.constant 0 : i32
    %dma_start3A_17 = tpu.memref_slice %arg9[%dma_start3A] : memref<4096xf32, #tpu.memory_space<vmem>> -> memref<128xf32, #tpu.memory_space<vmem>>
    %dma_start3A_18 = arith.constant 0 : i32
    %dma_start3A_19 = tpu.memref_slice %arg8[%dma_start3A_18] : memref<4096xi32, #tpu.memory_space<vmem>> -> memref<128xi32, #tpu.memory_space<vmem>>
    %dma_start3A_20 = arith.constant 0 : i32
    %dma_start3A_21 = tpu.memref_slice %arg4[%dma_start3A_20] : memref<10368000xf32, #tpu.memory_space<hbm>> -> memref<10368000xf32, #tpu.memory_space<hbm>>
    tpu.enqueue_indirect_dma source(%dma_start3A_21 : memref<10368000xf32, #tpu.memory_space<hbm>>) target(%dma_start3A_17 : memref<128xf32, #tpu.memory_space<vmem>>) offsets(%dma_start3A_19 : memref<128xi32, #tpu.memory_space<vmem>>) semaphore(%arg11 : memref<!tpu.dma_semaphore, #tpu.memory_space<semaphore_mem>>)
    %dma_wait3A = arith.constant 0 : i32
    %dma_wait3A_22 = tpu.memref_slice %arg9[%dma_wait3A] : memref<4096xf32, #tpu.memory_space<vmem>> -> memref<128xf32, #tpu.memory_space<vmem>>
    %dma_wait3A_23 = arith.constant 0 : i32
    %dma_wait3A_24 = tpu.memref_slice %arg8[%dma_wait3A_23] : memref<4096xi32, #tpu.memory_space<vmem>> -> memref<128xi32, #tpu.memory_space<vmem>>
    %dma_wait3A_25 = arith.constant 0 : i32
    %dma_wait3A_26 = tpu.memref_slice %arg4[%dma_wait3A_25] : memref<10368000xf32, #tpu.memory_space<hbm>> -> memref<10368000xf32, #tpu.memory_space<hbm>>
    tpu.wait_indirect_dma semaphore(%arg11 : memref<!tpu.dma_semaphore, #tpu.memory_space<semaphore_mem>>) src(%dma_wait3A_26 : memref<10368000xf32, #tpu.memory_space<hbm>>) dst(%dma_wait3A_22 : memref<128xf32, #tpu.memory_space<vmem>>)
    %dma_start3A_27 = arith.constant 128 : i32
    %dma_start3A_28 = tpu.memref_slice %arg9[%dma_start3A_27] : memref<4096xf32, #tpu.memory_space<vmem>> -> memref<128xf32, #tpu.memory_space<vmem>>
    %dma_start3A_29 = arith.constant 128 : i32
    %dma_start3A_30 = tpu.memref_slice %arg8[%dma_start3A_29] : memref<4096xi32, #tpu.memory_space<vmem>> -> memref<128xi32, #tpu.memory_space<vmem>>
    %dma_start3A_31 = arith.constant 0 : i32
    %dma_start3A_32 = tpu.memref_slice %arg4[%dma_start3A_31] : memref<10368000xf32, #tpu.memory_space<hbm>> -> memref<10368000xf32, #tpu.memory_space<hbm>>
    tpu.enqueue_indirect_dma source(%dma_start3A_32 : memref<10368000xf32, #tpu.memory_space<hbm>>) target(%dma_start3A_28 : memref<128xf32, #tpu.memory_space<vmem>>) offsets(%dma_start3A_30 : memref<128xi32, #tpu.memory_space<vmem>>) semaphore(%arg11 : memref<!tpu.dma_semaphore, #tpu.memory_space<semaphore_mem>>)
    %dma_wait3A_33 = arith.constant 128 : i32
    %dma_wait3A_34 = tpu.memref_slice %arg9[%dma_wait3A_33] : memref<4096xf32, #tpu.memory_space<vmem>> -> memref<128xf32, #tpu.memory_space<vmem>>
    %dma_wait3A_35 = arith.constant 128 : i32
    %dma_wait3A_36 = tpu.memref_slice %arg8[%dma_wait3A_35] : memref<4096xi32, #tpu.memory_space<vmem>> -> memref<128xi32, #tpu.memory_space<vmem>>
    %dma_wait3A_37 = arith.constant 0 : i32
    %dma_wait3A_38 = tpu.memref_slice %arg4[%dma_wait3A_37] : memref<10368000xf32, #tpu.memory_space<hbm>> -> memref<10368000xf32, #tpu.memory_space<hbm>>
    tpu.wait_indirect_dma semaphore(%arg11 : memref<!tpu.dma_semaphore, #tpu.memory_space<semaphore_mem>>) src(%dma_wait3A_38 : memref<10368000xf32, #tpu.memory_space<hbm>>) dst(%dma_wait3A_34 : memref<128xf32, #tpu.memory_space<vmem>>)
    %dma_start3A_39 = arith.constant 256 : i32
    %dma_start3A_40 = tpu.memref_slice %arg9[%dma_start3A_39] : memref<4096xf32, #tpu.memory_space<vmem>> -> memref<128xf32, #tpu.memory_space<vmem>>
    %dma_start3A_41 = arith.constant 256 : i32
    %dma_start3A_42 = tpu.memref_slice %arg8[%dma_start3A_41] : memref<4096xi32, #tpu.memory_space<vmem>> -> memref<128xi32, #tpu.memory_space<vmem>>
    %dma_start3A_43 = arith.constant 0 : i32
    %dma_start3A_44 = tpu.memref_slice %arg4[%dma_start3A_43] : memref<10368000xf32, #tpu.memory_space<hbm>> -> memref<10368000xf32, #tpu.memory_space<hbm>>
    tpu.enqueue_indirect_dma source(%dma_start3A_44 : memref<10368000xf32, #tpu.memory_space<hbm>>) target(%dma_start3A_40 : memref<128xf32, #tpu.memory_space<vmem>>) offsets(%dma_start3A_42 : memref<128xi32, #tpu.memory_space<vmem>>) semaphore(%arg11 : memref<!tpu.dma_semaphore, #tpu.memory_space<semaphore_mem>>)
    %dma_wait3A_45 = arith.constant 256 : i32
    %dma_wait3A_46 = tpu.memref_slice %arg9[%dma_wait3A_45] : memref<4096xf32, #tpu.memory_space<vmem>> -> memref<128xf32, #tpu.memory_space<vmem>>
    %dma_wait3A_47 = arith.constant 256 : i32
    %dma_wait3A_48 = tpu.memref_slice %arg8[%dma_wait3A_47] : memref<4096xi32, #tpu.memory_space<vmem>> -> memref<128xi32, #tpu.memory_space<vmem>>
    %dma_wait3A_49 = arith.constant 0 : i32
    %dma_wait3A_50 = tpu.memref_slice %arg4[%dma_wait3A_49] : memref<10368000xf32, #tpu.memory_space<hbm>> -> memref<10368000xf32, #tpu.memory_space<hbm>>
    tpu.wait_indirect_dma semaphore(%arg11 : memref<!tpu.dma_semaphore, #tpu.memory_space<semaphore_mem>>) src(%dma_wait3A_50 : memref<10368000xf32, #tpu.memory_space<hbm>>) dst(%dma_wait3A_46 : memref<128xf32, #tpu.memory_space<vmem>>)
    %dma_start3A_51 = arith.constant 384 : i32
    %dma_start3A_52 = tpu.memref_slice %arg9[%dma_start3A_51] : memref<4096xf32, #tpu.memory_space<vmem>> -> memref<128xf32, #tpu.memory_space<vmem>>
    %dma_start3A_53 = arith.constant 384 : i32
    %dma_start3A_54 = tpu.memref_slice %arg8[%dma_start3A_53] : memref<4096xi32, #tpu.memory_space<vmem>> -> memref<128xi32, #tpu.memory_space<vmem>>
    %dma_start3A_55 = arith.constant 0 : i32
    %dma_start3A_56 = tpu.memref_slice %arg4[%dma_start3A_55] : memref<10368000xf32, #tpu.memory_space<hbm>> -> memref<10368000xf32, #tpu.memory_space<hbm>>
    tpu.enqueue_indirect_dma source(%dma_start3A_56 : memref<10368000xf32, #tpu.memory_space<hbm>>) target(%dma_start3A_52 : memref<128xf32, #tpu.memory_space<vmem>>) offsets(%dma_start3A_54 : memref<128xi32, #tpu.memory_space<vmem>>) semaphore(%arg11 : memref<!tpu.dma_semaphore, #tpu.memory_space<semaphore_mem>>)
    %dma_wait3A_57 = arith.constant 384 : i32
    %dma_wait3A_58 = tpu.memref_slice %arg9[%dma_wait3A_57] : memref<4096xf32, #tpu.memory_space<vmem>> -> memref<128xf32, #tpu.memory_space<vmem>>
    %dma_wait3A_59 = arith.constant 384 : i32
    %dma_wait3A_60 = tpu.memref_slice %arg8[%dma_wait3A_59] : memref<4096xi32, #tpu.memory_space<vmem>> -> memref<128xi32, #tpu.memory_space<vmem>>
    %dma_wait3A_61 = arith.constant 0 : i32
    %dma_wait3A_62 = tpu.memref_slice %arg4[%dma_wait3A_61] : memref<10368000xf32, #tpu.memory_space<hbm>> -> memref<10368000xf32, #tpu.memory_space<hbm>>
    tpu.wait_indirect_dma semaphore(%arg11 : memref<!tpu.dma_semaphore, #tpu.memory_space<semaphore_mem>>) src(%dma_wait3A_62 : memref<10368000xf32, #tpu.memory_space<hbm>>) dst(%dma_wait3A_58 : memref<128xf32, #tpu.memory_space<vmem>>)
    %dma_start3A_63 = arith.constant 512 : i32
    %dma_start3A_64 = tpu.memref_slice %arg9[%dma_start3A_63] : memref<4096xf32, #tpu.memory_space<vmem>> -> memref<128xf32, #tpu.memory_space<vmem>>
    %dma_start3A_65 = arith.constant 512 : i32
    %dma_start3A_66 = tpu.memref_slice %arg8[%dma_start3A_65] : memref<4096xi32, #tpu.memory_space<vmem>> -> memref<128xi32, #tpu.memory_space<vmem>>
    %dma_start3A_67 = arith.constant 0 : i32
    %dma_start3A_68 = tpu.memref_slice %arg4[%dma_start3A_67] : memref<10368000xf32, #tpu.memory_space<hbm>> -> memref<10368000xf32, #tpu.memory_space<hbm>>
    tpu.enqueue_indirect_dma source(%dma_start3A_68 : memref<10368000xf32, #tpu.memory_space<hbm>>) target(%dma_start3A_64 : memref<128xf32, #tpu.memory_space<vmem>>) offsets(%dma_start3A_66 : memref<128xi32, #tpu.memory_space<vmem>>) semaphore(%arg11 : memref<!tpu.dma_semaphore, #tpu.memory_space<semaphore_mem>>)
    %dma_wait3A_69 = arith.constant 512 : i32
    %dma_wait3A_70 = tpu.memref_slice %arg9[%dma_wait3A_69] : memref<4096xf32, #tpu.memory_space<vmem>> -> memref<128xf32, #tpu.memory_space<vmem>>
    %dma_wait3A_71 = arith.constant 512 : i32
    %dma_wait3A_72 = tpu.memref_slice %arg8[%dma_wait3A_71] : memref<4096xi32, #tpu.memory_space<vmem>> -> memref<128xi32, #tpu.memory_space<vmem>>
    %dma_wait3A_73 = arith.constant 0 : i32
    %dma_wait3A_74 = tpu.memref_slice %arg4[%dma_wait3A_73] : memref<10368000xf32, #tpu.memory_space<hbm>> -> memref<10368000xf32, #tpu.memory_space<hbm>>
    tpu.wait_indirect_dma semaphore(%arg11 : memref<!tpu.dma_semaphore, #tpu.memory_space<semaphore_mem>>) src(%dma_wait3A_74 : memref<10368000xf32, #tpu.memory_space<hbm>>) dst(%dma_wait3A_70 : memref<128xf32, #tpu.memory_space<vmem>>)
    %dma_start3A_75 = arith.constant 640 : i32
    %dma_start3A_76 = tpu.memref_slice %arg9[%dma_start3A_75] : memref<4096xf32, #tpu.memory_space<vmem>> -> memref<128xf32, #tpu.memory_space<vmem>>
    %dma_start3A_77 = arith.constant 640 : i32
    %dma_start3A_78 = tpu.memref_slice %arg8[%dma_start3A_77] : memref<4096xi32, #tpu.memory_space<vmem>> -> memref<128xi32, #tpu.memory_space<vmem>>
    %dma_start3A_79 = arith.constant 0 : i32
    %dma_start3A_80 = tpu.memref_slice %arg4[%dma_start3A_79] : memref<10368000xf32, #tpu.memory_space<hbm>> -> memref<10368000xf32, #tpu.memory_space<hbm>>
    tpu.enqueue_indirect_dma source(%dma_start3A_80 : memref<10368000xf32, #tpu.memory_space<hbm>>) target(%dma_start3A_76 : memref<128xf32, #tpu.memory_space<vmem>>) offsets(%dma_start3A_78 : memref<128xi32, #tpu.memory_space<vmem>>) semaphore(%arg11 : memref<!tpu.dma_semaphore, #tpu.memory_space<semaphore_mem>>)
    %dma_wait3A_81 = arith.constant 640 : i32
    %dma_wait3A_82 = tpu.memref_slice %arg9[%dma_wait3A_81] : memref<4096xf32, #tpu.memory_space<vmem>> -> memref<128xf32, #tpu.memory_space<vmem>>
    %dma_wait3A_83 = arith.constant 640 : i32
    %dma_wait3A_84 = tpu.memref_slice %arg8[%dma_wait3A_83] : memref<4096xi32, #tpu.memory_space<vmem>> -> memref<128xi32, #tpu.memory_space<vmem>>
    %dma_wait3A_85 = arith.constant 0 : i32
    %dma_wait3A_86 = tpu.memref_slice %arg4[%dma_wait3A_85] : memref<10368000xf32, #tpu.memory_space<hbm>> -> memref<10368000xf32, #tpu.memory_space<hbm>>
    tpu.wait_indirect_dma semaphore(%arg11 : memref<!tpu.dma_semaphore, #tpu.memory_space<semaphore_mem>>) src(%dma_wait3A_86 : memref<10368000xf32, #tpu.memory_space<hbm>>) dst(%dma_wait3A_82 : memref<128xf32, #tpu.memory_space<vmem>>)
    %dma_start3A_87 = arith.constant 768 : i32
    %dma_start3A_88 = tpu.memref_slice %arg9[%dma_start3A_87] : memref<4096xf32, #tpu.memory_space<vmem>> -> memref<128xf32, #tpu.memory_space<vmem>>
    %dma_start3A_89 = arith.constant 768 : i32
    %dma_start3A_90 = tpu.memref_slice %arg8[%dma_start3A_89] : memref<4096xi32, #tpu.memory_space<vmem>> -> memref<128xi32, #tpu.memory_space<vmem>>
    %dma_start3A_91 = arith.constant 0 : i32
    %dma_start3A_92 = tpu.memref_slice %arg4[%dma_start3A_91] : memref<10368000xf32, #tpu.memory_space<hbm>> -> memref<10368000xf32, #tpu.memory_space<hbm>>
    tpu.enqueue_indirect_dma source(%dma_start3A_92 : memref<10368000xf32, #tpu.memory_space<hbm>>) target(%dma_start3A_88 : memref<128xf32, #tpu.memory_space<vmem>>) offsets(%dma_start3A_90 : memref<128xi32, #tpu.memory_space<vmem>>) semaphore(%arg11 : memref<!tpu.dma_semaphore, #tpu.memory_space<semaphore_mem>>)
    %dma_wait3A_93 = arith.constant 768 : i32
    %dma_wait3A_94 = tpu.memref_slice %arg9[%dma_wait3A_93] : memref<4096xf32, #tpu.memory_space<vmem>> -> memref<128xf32, #tpu.memory_space<vmem>>
    %dma_wait3A_95 = arith.constant 768 : i32
    %dma_wait3A_96 = tpu.memref_slice %arg8[%dma_wait3A_95] : memref<4096xi32, #tpu.memory_space<vmem>> -> memref<128xi32, #tpu.memory_space<vmem>>
    %dma_wait3A_97 = arith.constant 0 : i32
    %dma_wait3A_98 = tpu.memref_slice %arg4[%dma_wait3A_97] : memref<10368000xf32, #tpu.memory_space<hbm>> -> memref<10368000xf32, #tpu.memory_space<hbm>>
    tpu.wait_indirect_dma semaphore(%arg11 : memref<!tpu.dma_semaphore, #tpu.memory_space<semaphore_mem>>) src(%dma_wait3A_98 : memref<10368000xf32, #tpu.memory_space<hbm>>) dst(%dma_wait3A_94 : memref<128xf32, #tpu.memory_space<vmem>>)
    %dma_start3A_99 = arith.constant 896 : i32
    %dma_start3A_100 = tpu.memref_slice %arg9[%dma_start3A_99] : memref<4096xf32, #tpu.memory_space<vmem>> -> memref<128xf32, #tpu.memory_space<vmem>>
    %dma_start3A_101 = arith.constant 896 : i32
    %dma_start3A_102 = tpu.memref_slice %arg8[%dma_start3A_101] : memref<4096xi32, #tpu.memory_space<vmem>> -> memref<128xi32, #tpu.memory_space<vmem>>
    %dma_start3A_103 = arith.constant 0 : i32
    %dma_start3A_104 = tpu.memref_slice %arg4[%dma_start3A_103] : memref<10368000xf32, #tpu.memory_space<hbm>> -> memref<10368000xf32, #tpu.memory_space<hbm>>
    tpu.enqueue_indirect_dma source(%dma_start3A_104 : memref<10368000xf32, #tpu.memory_space<hbm>>) target(%dma_start3A_100 : memref<128xf32, #tpu.memory_space<vmem>>) offsets(%dma_start3A_102 : memref<128xi32, #tpu.memory_space<vmem>>) semaphore(%arg11 : memref<!tpu.dma_semaphore, #tpu.memory_space<semaphore_mem>>)
    %dma_wait3A_105 = arith.constant 896 : i32
    %dma_wait3A_106 = tpu.memref_slice %arg9[%dma_wait3A_105] : memref<4096xf32, #tpu.memory_space<vmem>> -> memref<128xf32, #tpu.memory_space<vmem>>
    %dma_wait3A_107 = arith.constant 896 : i32
    %dma_wait3A_108 = tpu.memref_slice %arg8[%dma_wait3A_107] : memref<4096xi32, #tpu.memory_space<vmem>> -> memref<128xi32, #tpu.memory_space<vmem>>
    %dma_wait3A_109 = arith.constant 0 : i32
    %dma_wait3A_110 = tpu.memref_slice %arg4[%dma_wait3A_109] : memref<10368000xf32, #tpu.memory_space<hbm>> -> memref<10368000xf32, #tpu.memory_space<hbm>>
    tpu.wait_indirect_dma semaphore(%arg11 : memref<!tpu.dma_semaphore, #tpu.memory_space<semaphore_mem>>) src(%dma_wait3A_110 : memref<10368000xf32, #tpu.memory_space<hbm>>) dst(%dma_wait3A_106 : memref<128xf32, #tpu.memory_space<vmem>>)
    %dma_start3A_111 = arith.constant 1024 : i32
    %dma_start3A_112 = tpu.memref_slice %arg9[%dma_start3A_111] : memref<4096xf32, #tpu.memory_space<vmem>> -> memref<128xf32, #tpu.memory_space<vmem>>
    %dma_start3A_113 = arith.constant 1024 : i32
    %dma_start3A_114 = tpu.memref_slice %arg8[%dma_start3A_113] : memref<4096xi32, #tpu.memory_space<vmem>> -> memref<128xi32, #tpu.memory_space<vmem>>
    %dma_start3A_115 = arith.constant 0 : i32
    %dma_start3A_116 = tpu.memref_slice %arg4[%dma_start3A_115] : memref<10368000xf32, #tpu.memory_space<hbm>> -> memref<10368000xf32, #tpu.memory_space<hbm>>
    tpu.enqueue_indirect_dma source(%dma_start3A_116 : memref<10368000xf32, #tpu.memory_space<hbm>>) target(%dma_start3A_112 : memref<128xf32, #tpu.memory_space<vmem>>) offsets(%dma_start3A_114 : memref<128xi32, #tpu.memory_space<vmem>>) semaphore(%arg11 : memref<!tpu.dma_semaphore, #tpu.memory_space<semaphore_mem>>)
    %dma_wait3A_117 = arith.constant 1024 : i32
    %dma_wait3A_118 = tpu.memref_slice %arg9[%dma_wait3A_117] : memref<4096xf32, #tpu.memory_space<vmem>> -> memref<128xf32, #tpu.memory_space<vmem>>
    %dma_wait3A_119 = arith.constant 1024 : i32
    %dma_wait3A_120 = tpu.memref_slice %arg8[%dma_wait3A_119] : memref<4096xi32, #tpu.memory_space<vmem>> -> memref<128xi32, #tpu.memory_space<vmem>>
    %dma_wait3A_121 = arith.constant 0 : i32
    %dma_wait3A_122 = tpu.memref_slice %arg4[%dma_wait3A_121] : memref<10368000xf32, #tpu.memory_space<hbm>> -> memref<10368000xf32, #tpu.memory_space<hbm>>
    tpu.wait_indirect_dma semaphore(%arg11 : memref<!tpu.dma_semaphore, #tpu.memory_space<semaphore_mem>>) src(%dma_wait3A_122 : memref<10368000xf32, #tpu.memory_space<hbm>>) dst(%dma_wait3A_118 : memref<128xf32, #tpu.memory_space<vmem>>)
    %dma_start3A_123 = arith.constant 1152 : i32
    %dma_start3A_124 = tpu.memref_slice %arg9[%dma_start3A_123] : memref<4096xf32, #tpu.memory_space<vmem>> -> memref<128xf32, #tpu.memory_space<vmem>>
    %dma_start3A_125 = arith.constant 1152 : i32
    %dma_start3A_126 = tpu.memref_slice %arg8[%dma_start3A_125] : memref<4096xi32, #tpu.memory_space<vmem>> -> memref<128xi32, #tpu.memory_space<vmem>>
    %dma_start3A_127 = arith.constant 0 : i32
    %dma_start3A_128 = tpu.memref_slice %arg4[%dma_start3A_127] : memref<10368000xf32, #tpu.memory_space<hbm>> -> memref<10368000xf32, #tpu.memory_space<hbm>>
    tpu.enqueue_indirect_dma source(%dma_start3A_128 : memref<10368000xf32, #tpu.memory_space<hbm>>) target(%dma_start3A_124 : memref<128xf32, #tpu.memory_space<vmem>>) offsets(%dma_start3A_126 : memref<128xi32, #tpu.memory_space<vmem>>) semaphore(%arg11 : memref<!tpu.dma_semaphore, #tpu.memory_space<semaphore_mem>>)
    %dma_wait3A_129 = arith.constant 1152 : i32
    %dma_wait3A_130 = tpu.memref_slice %arg9[%dma_wait3A_129] : memref<4096xf32, #tpu.memory_space<vmem>> -> memref<128xf32, #tpu.memory_space<vmem>>
    %dma_wait3A_131 = arith.constant 1152 : i32
    %dma_wait3A_132 = tpu.memref_slice %arg8[%dma_wait3A_131] : memref<4096xi32, #tpu.memory_space<vmem>> -> memref<128xi32, #tpu.memory_space<vmem>>
    %dma_wait3A_133 = arith.constant 0 : i32
    %dma_wait3A_134 = tpu.memref_slice %arg4[%dma_wait3A_133] : memref<10368000xf32, #tpu.memory_space<hbm>> -> memref<10368000xf32, #tpu.memory_space<hbm>>
    tpu.wait_indirect_dma semaphore(%arg11 : memref<!tpu.dma_semaphore, #tpu.memory_space<semaphore_mem>>) src(%dma_wait3A_134 : memref<10368000xf32, #tpu.memory_space<hbm>>) dst(%dma_wait3A_130 : memref<128xf32, #tpu.memory_space<vmem>>)
    %dma_start3A_135 = arith.constant 1280 : i32
    %dma_start3A_136 = tpu.memref_slice %arg9[%dma_start3A_135] : memref<4096xf32, #tpu.memory_space<vmem>> -> memref<128xf32, #tpu.memory_space<vmem>>
    %dma_start3A_137 = arith.constant 1280 : i32
    %dma_start3A_138 = tpu.memref_slice %arg8[%dma_start3A_137] : memref<4096xi32, #tpu.memory_space<vmem>> -> memref<128xi32, #tpu.memory_space<vmem>>
    %dma_start3A_139 = arith.constant 0 : i32
    %dma_start3A_140 = tpu.memref_slice %arg4[%dma_start3A_139] : memref<10368000xf32, #tpu.memory_space<hbm>> -> memref<10368000xf32, #tpu.memory_space<hbm>>
    tpu.enqueue_indirect_dma source(%dma_start3A_140 : memref<10368000xf32, #tpu.memory_space<hbm>>) target(%dma_start3A_136 : memref<128xf32, #tpu.memory_space<vmem>>) offsets(%dma_start3A_138 : memref<128xi32, #tpu.memory_space<vmem>>) semaphore(%arg11 : memref<!tpu.dma_semaphore, #tpu.memory_space<semaphore_mem>>)
    %dma_wait3A_141 = arith.constant 1280 : i32
    %dma_wait3A_142 = tpu.memref_slice %arg9[%dma_wait3A_141] : memref<4096xf32, #tpu.memory_space<vmem>> -> memref<128xf32, #tpu.memory_space<vmem>>
    %dma_wait3A_143 = arith.constant 1280 : i32
    %dma_wait3A_144 = tpu.memref_slice %arg8[%dma_wait3A_143] : memref<4096xi32, #tpu.memory_space<vmem>> -> memref<128xi32, #tpu.memory_space<vmem>>
    %dma_wait3A_145 = arith.constant 0 : i32
    %dma_wait3A_146 = tpu.memref_slice %arg4[%dma_wait3A_145] : memref<10368000xf32, #tpu.memory_space<hbm>> -> memref<10368000xf32, #tpu.memory_space<hbm>>
    tpu.wait_indirect_dma semaphore(%arg11 : memref<!tpu.dma_semaphore, #tpu.memory_space<semaphore_mem>>) src(%dma_wait3A_146 : memref<10368000xf32, #tpu.memory_space<hbm>>) dst(%dma_wait3A_142 : memref<128xf32, #tpu.memory_space<vmem>>)
    %dma_start3A_147 = arith.constant 1408 : i32
    %dma_start3A_148 = tpu.memref_slice %arg9[%dma_start3A_147] : memref<4096xf32, #tpu.memory_space<vmem>> -> memref<128xf32, #tpu.memory_space<vmem>>
    %dma_start3A_149 = arith.constant 1408 : i32
    %dma_start3A_150 = tpu.memref_slice %arg8[%dma_start3A_149] : memref<4096xi32, #tpu.memory_space<vmem>> -> memref<128xi32, #tpu.memory_space<vmem>>
    %dma_start3A_151 = arith.constant 0 : i32
    %dma_start3A_152 = tpu.memref_slice %arg4[%dma_start3A_151] : memref<10368000xf32, #tpu.memory_space<hbm>> -> memref<10368000xf32, #tpu.memory_space<hbm>>
    tpu.enqueue_indirect_dma source(%dma_start3A_152 : memref<10368000xf32, #tpu.memory_space<hbm>>) target(%dma_start3A_148 : memref<128xf32, #tpu.memory_space<vmem>>) offsets(%dma_start3A_150 : memref<128xi32, #tpu.memory_space<vmem>>) semaphore(%arg11 : memref<!tpu.dma_semaphore, #tpu.memory_space<semaphore_mem>>)
    %dma_wait3A_153 = arith.constant 1408 : i32
    %dma_wait3A_154 = tpu.memref_slice %arg9[%dma_wait3A_153] : memref<4096xf32, #tpu.memory_space<vmem>> -> memref<128xf32, #tpu.memory_space<vmem>>
    %dma_wait3A_155 = arith.constant 1408 : i32
    %dma_wait3A_156 = tpu.memref_slice %arg8[%dma_wait3A_155] : memref<4096xi32, #tpu.memory_space<vmem>> -> memref<128xi32, #tpu.memory_space<vmem>>
    %dma_wait3A_157 = arith.constant 0 : i32
    %dma_wait3A_158 = tpu.memref_slice %arg4[%dma_wait3A_157] : memref<10368000xf32, #tpu.memory_space<hbm>> -> memref<10368000xf32, #tpu.memory_space<hbm>>
    tpu.wait_indirect_dma semaphore(%arg11 : memref<!tpu.dma_semaphore, #tpu.memory_space<semaphore_mem>>) src(%dma_wait3A_158 : memref<10368000xf32, #tpu.memory_space<hbm>>) dst(%dma_wait3A_154 : memref<128xf32, #tpu.memory_space<vmem>>)
    %dma_start3A_159 = arith.constant 1536 : i32
    %dma_start3A_160 = tpu.memref_slice %arg9[%dma_start3A_159] : memref<4096xf32, #tpu.memory_space<vmem>> -> memref<128xf32, #tpu.memory_space<vmem>>
    %dma_start3A_161 = arith.constant 1536 : i32
    %dma_start3A_162 = tpu.memref_slice %arg8[%dma_start3A_161] : memref<4096xi32, #tpu.memory_space<vmem>> -> memref<128xi32, #tpu.memory_space<vmem>>
    %dma_start3A_163 = arith.constant 0 : i32
    %dma_start3A_164 = tpu.memref_slice %arg4[%dma_start3A_163] : memref<10368000xf32, #tpu.memory_space<hbm>> -> memref<10368000xf32, #tpu.memory_space<hbm>>
    tpu.enqueue_indirect_dma source(%dma_start3A_164 : memref<10368000xf32, #tpu.memory_space<hbm>>) target(%dma_start3A_160 : memref<128xf32, #tpu.memory_space<vmem>>) offsets(%dma_start3A_162 : memref<128xi32, #tpu.memory_space<vmem>>) semaphore(%arg11 : memref<!tpu.dma_semaphore, #tpu.memory_space<semaphore_mem>>)
    %dma_wait3A_165 = arith.constant 1536 : i32
    %dma_wait3A_166 = tpu.memref_slice %arg9[%dma_wait3A_165] : memref<4096xf32, #tpu.memory_space<vmem>> -> memref<128xf32, #tpu.memory_space<vmem>>
    %dma_wait3A_167 = arith.constant 1536 : i32
    %dma_wait3A_168 = tpu.memref_slice %arg8[%dma_wait3A_167] : memref<4096xi32, #tpu.memory_space<vmem>> -> memref<128xi32, #tpu.memory_space<vmem>>
    %dma_wait3A_169 = arith.constant 0 : i32
    %dma_wait3A_170 = tpu.memref_slice %arg4[%dma_wait3A_169] : memref<10368000xf32, #tpu.memory_space<hbm>> -> memref<10368000xf32, #tpu.memory_space<hbm>>
    tpu.wait_indirect_dma semaphore(%arg11 : memref<!tpu.dma_semaphore, #tpu.memory_space<semaphore_mem>>) src(%dma_wait3A_170 : memref<10368000xf32, #tpu.memory_space<hbm>>) dst(%dma_wait3A_166 : memref<128xf32, #tpu.memory_space<vmem>>)
    %dma_start3A_171 = arith.constant 1664 : i32
    %dma_start3A_172 = tpu.memref_slice %arg9[%dma_start3A_171] : memref<4096xf32, #tpu.memory_space<vmem>> -> memref<128xf32, #tpu.memory_space<vmem>>
    %dma_start3A_173 = arith.constant 1664 : i32
    %dma_start3A_174 = tpu.memref_slice %arg8[%dma_start3A_173] : memref<4096xi32, #tpu.memory_space<vmem>> -> memref<128xi32, #tpu.memory_space<vmem>>
    %dma_start3A_175 = arith.constant 0 : i32
    %dma_start3A_176 = tpu.memref_slice %arg4[%dma_start3A_175] : memref<10368000xf32, #tpu.memory_space<hbm>> -> memref<10368000xf32, #tpu.memory_space<hbm>>
    tpu.enqueue_indirect_dma source(%dma_start3A_176 : memref<10368000xf32, #tpu.memory_space<hbm>>) target(%dma_start3A_172 : memref<128xf32, #tpu.memory_space<vmem>>) offsets(%dma_start3A_174 : memref<128xi32, #tpu.memory_space<vmem>>) semaphore(%arg11 : memref<!tpu.dma_semaphore, #tpu.memory_space<semaphore_mem>>)
    %dma_wait3A_177 = arith.constant 1664 : i32
    %dma_wait3A_178 = tpu.memref_slice %arg9[%dma_wait3A_177] : memref<4096xf32, #tpu.memory_space<vmem>> -> memref<128xf32, #tpu.memory_space<vmem>>
    %dma_wait3A_179 = arith.constant 1664 : i32
    %dma_wait3A_180 = tpu.memref_slice %arg8[%dma_wait3A_179] : memref<4096xi32, #tpu.memory_space<vmem>> -> memref<128xi32, #tpu.memory_space<vmem>>
    %dma_wait3A_181 = arith.constant 0 : i32
    %dma_wait3A_182 = tpu.memref_slice %arg4[%dma_wait3A_181] : memref<10368000xf32, #tpu.memory_space<hbm>> -> memref<10368000xf32, #tpu.memory_space<hbm>>
    tpu.wait_indirect_dma semaphore(%arg11 : memref<!tpu.dma_semaphore, #tpu.memory_space<semaphore_mem>>) src(%dma_wait3A_182 : memref<10368000xf32, #tpu.memory_space<hbm>>) dst(%dma_wait3A_178 : memref<128xf32, #tpu.memory_space<vmem>>)
    %dma_start3A_183 = arith.constant 1792 : i32
    %dma_start3A_184 = tpu.memref_slice %arg9[%dma_start3A_183] : memref<4096xf32, #tpu.memory_space<vmem>> -> memref<128xf32, #tpu.memory_space<vmem>>
    %dma_start3A_185 = arith.constant 1792 : i32
    %dma_start3A_186 = tpu.memref_slice %arg8[%dma_start3A_185] : memref<4096xi32, #tpu.memory_space<vmem>> -> memref<128xi32, #tpu.memory_space<vmem>>
    %dma_start3A_187 = arith.constant 0 : i32
    %dma_start3A_188 = tpu.memref_slice %arg4[%dma_start3A_187] : memref<10368000xf32, #tpu.memory_space<hbm>> -> memref<10368000xf32, #tpu.memory_space<hbm>>
    tpu.enqueue_indirect_dma source(%dma_start3A_188 : memref<10368000xf32, #tpu.memory_space<hbm>>) target(%dma_start3A_184 : memref<128xf32, #tpu.memory_space<vmem>>) offsets(%dma_start3A_186 : memref<128xi32, #tpu.memory_space<vmem>>) semaphore(%arg11 : memref<!tpu.dma_semaphore, #tpu.memory_space<semaphore_mem>>)
    %dma_wait3A_189 = arith.constant 1792 : i32
    %dma_wait3A_190 = tpu.memref_slice %arg9[%dma_wait3A_189] : memref<4096xf32, #tpu.memory_space<vmem>> -> memref<128xf32, #tpu.memory_space<vmem>>
    %dma_wait3A_191 = arith.constant 1792 : i32
    %dma_wait3A_192 = tpu.memref_slice %arg8[%dma_wait3A_191] : memref<4096xi32, #tpu.memory_space<vmem>> -> memref<128xi32, #tpu.memory_space<vmem>>
    %dma_wait3A_193 = arith.constant 0 : i32
    %dma_wait3A_194 = tpu.memref_slice %arg4[%dma_wait3A_193] : memref<10368000xf32, #tpu.memory_space<hbm>> -> memref<10368000xf32, #tpu.memory_space<hbm>>
    tpu.wait_indirect_dma semaphore(%arg11 : memref<!tpu.dma_semaphore, #tpu.memory_space<semaphore_mem>>) src(%dma_wait3A_194 : memref<10368000xf32, #tpu.memory_space<hbm>>) dst(%dma_wait3A_190 : memref<128xf32, #tpu.memory_space<vmem>>)
    %dma_start3A_195 = arith.constant 1920 : i32
    %dma_start3A_196 = tpu.memref_slice %arg9[%dma_start3A_195] : memref<4096xf32, #tpu.memory_space<vmem>> -> memref<128xf32, #tpu.memory_space<vmem>>
    %dma_start3A_197 = arith.constant 1920 : i32
    %dma_start3A_198 = tpu.memref_slice %arg8[%dma_start3A_197] : memref<4096xi32, #tpu.memory_space<vmem>> -> memref<128xi32, #tpu.memory_space<vmem>>
    %dma_start3A_199 = arith.constant 0 : i32
    %dma_start3A_200 = tpu.memref_slice %arg4[%dma_start3A_199] : memref<10368000xf32, #tpu.memory_space<hbm>> -> memref<10368000xf32, #tpu.memory_space<hbm>>
    tpu.enqueue_indirect_dma source(%dma_start3A_200 : memref<10368000xf32, #tpu.memory_space<hbm>>) target(%dma_start3A_196 : memref<128xf32, #tpu.memory_space<vmem>>) offsets(%dma_start3A_198 : memref<128xi32, #tpu.memory_space<vmem>>) semaphore(%arg11 : memref<!tpu.dma_semaphore, #tpu.memory_space<semaphore_mem>>)
    %dma_wait3A_201 = arith.constant 1920 : i32
    %dma_wait3A_202 = tpu.memref_slice %arg9[%dma_wait3A_201] : memref<4096xf32, #tpu.memory_space<vmem>> -> memref<128xf32, #tpu.memory_space<vmem>>
    %dma_wait3A_203 = arith.constant 1920 : i32
    %dma_wait3A_204 = tpu.memref_slice %arg8[%dma_wait3A_203] : memref<4096xi32, #tpu.memory_space<vmem>> -> memref<128xi32, #tpu.memory_space<vmem>>
    %dma_wait3A_205 = arith.constant 0 : i32
    %dma_wait3A_206 = tpu.memref_slice %arg4[%dma_wait3A_205] : memref<10368000xf32, #tpu.memory_space<hbm>> -> memref<10368000xf32, #tpu.memory_space<hbm>>
    tpu.wait_indirect_dma semaphore(%arg11 : memref<!tpu.dma_semaphore, #tpu.memory_space<semaphore_mem>>) src(%dma_wait3A_206 : memref<10368000xf32, #tpu.memory_space<hbm>>) dst(%dma_wait3A_202 : memref<128xf32, #tpu.memory_space<vmem>>)
    %dma_start3A_207 = arith.constant 2048 : i32
    %dma_start3A_208 = tpu.memref_slice %arg9[%dma_start3A_207] : memref<4096xf32, #tpu.memory_space<vmem>> -> memref<128xf32, #tpu.memory_space<vmem>>
    %dma_start3A_209 = arith.constant 2048 : i32
    %dma_start3A_210 = tpu.memref_slice %arg8[%dma_start3A_209] : memref<4096xi32, #tpu.memory_space<vmem>> -> memref<128xi32, #tpu.memory_space<vmem>>
    %dma_start3A_211 = arith.constant 0 : i32
    %dma_start3A_212 = tpu.memref_slice %arg4[%dma_start3A_211] : memref<10368000xf32, #tpu.memory_space<hbm>> -> memref<10368000xf32, #tpu.memory_space<hbm>>
    tpu.enqueue_indirect_dma source(%dma_start3A_212 : memref<10368000xf32, #tpu.memory_space<hbm>>) target(%dma_start3A_208 : memref<128xf32, #tpu.memory_space<vmem>>) offsets(%dma_start3A_210 : memref<128xi32, #tpu.memory_space<vmem>>) semaphore(%arg11 : memref<!tpu.dma_semaphore, #tpu.memory_space<semaphore_mem>>)
    %dma_wait3A_213 = arith.constant 2048 : i32
    %dma_wait3A_214 = tpu.memref_slice %arg9[%dma_wait3A_213] : memref<4096xf32, #tpu.memory_space<vmem>> -> memref<128xf32, #tpu.memory_space<vmem>>
    %dma_wait3A_215 = arith.constant 2048 : i32
    %dma_wait3A_216 = tpu.memref_slice %arg8[%dma_wait3A_215] : memref<4096xi32, #tpu.memory_space<vmem>> -> memref<128xi32, #tpu.memory_space<vmem>>
    %dma_wait3A_217 = arith.constant 0 : i32
    %dma_wait3A_218 = tpu.memref_slice %arg4[%dma_wait3A_217] : memref<10368000xf32, #tpu.memory_space<hbm>> -> memref<10368000xf32, #tpu.memory_space<hbm>>
    tpu.wait_indirect_dma semaphore(%arg11 : memref<!tpu.dma_semaphore, #tpu.memory_space<semaphore_mem>>) src(%dma_wait3A_218 : memref<10368000xf32, #tpu.memory_space<hbm>>) dst(%dma_wait3A_214 : memref<128xf32, #tpu.memory_space<vmem>>)
    %dma_start3A_219 = arith.constant 2176 : i32
    %dma_start3A_220 = tpu.memref_slice %arg9[%dma_start3A_219] : memref<4096xf32, #tpu.memory_space<vmem>> -> memref<128xf32, #tpu.memory_space<vmem>>
    %dma_start3A_221 = arith.constant 2176 : i32
    %dma_start3A_222 = tpu.memref_slice %arg8[%dma_start3A_221] : memref<4096xi32, #tpu.memory_space<vmem>> -> memref<128xi32, #tpu.memory_space<vmem>>
    %dma_start3A_223 = arith.constant 0 : i32
    %dma_start3A_224 = tpu.memref_slice %arg4[%dma_start3A_223] : memref<10368000xf32, #tpu.memory_space<hbm>> -> memref<10368000xf32, #tpu.memory_space<hbm>>
    tpu.enqueue_indirect_dma source(%dma_start3A_224 : memref<10368000xf32, #tpu.memory_space<hbm>>) target(%dma_start3A_220 : memref<128xf32, #tpu.memory_space<vmem>>) offsets(%dma_start3A_222 : memref<128xi32, #tpu.memory_space<vmem>>) semaphore(%arg11 : memref<!tpu.dma_semaphore, #tpu.memory_space<semaphore_mem>>)
    %dma_wait3A_225 = arith.constant 2176 : i32
    %dma_wait3A_226 = tpu.memref_slice %arg9[%dma_wait3A_225] : memref<4096xf32, #tpu.memory_space<vmem>> -> memref<128xf32, #tpu.memory_space<vmem>>
    %dma_wait3A_227 = arith.constant 2176 : i32
    %dma_wait3A_228 = tpu.memref_slice %arg8[%dma_wait3A_227] : memref<4096xi32, #tpu.memory_space<vmem>> -> memref<128xi32, #tpu.memory_space<vmem>>
    %dma_wait3A_229 = arith.constant 0 : i32
    %dma_wait3A_230 = tpu.memref_slice %arg4[%dma_wait3A_229] : memref<10368000xf32, #tpu.memory_space<hbm>> -> memref<10368000xf32, #tpu.memory_space<hbm>>
    tpu.wait_indirect_dma semaphore(%arg11 : memref<!tpu.dma_semaphore, #tpu.memory_space<semaphore_mem>>) src(%dma_wait3A_230 : memref<10368000xf32, #tpu.memory_space<hbm>>) dst(%dma_wait3A_226 : memref<128xf32, #tpu.memory_space<vmem>>)
    %dma_start3A_231 = arith.constant 2304 : i32
    %dma_start3A_232 = tpu.memref_slice %arg9[%dma_start3A_231] : memref<4096xf32, #tpu.memory_space<vmem>> -> memref<128xf32, #tpu.memory_space<vmem>>
    %dma_start3A_233 = arith.constant 2304 : i32
    %dma_start3A_234 = tpu.memref_slice %arg8[%dma_start3A_233] : memref<4096xi32, #tpu.memory_space<vmem>> -> memref<128xi32, #tpu.memory_space<vmem>>
    %dma_start3A_235 = arith.constant 0 : i32
    %dma_start3A_236 = tpu.memref_slice %arg4[%dma_start3A_235] : memref<10368000xf32, #tpu.memory_space<hbm>> -> memref<10368000xf32, #tpu.memory_space<hbm>>
    tpu.enqueue_indirect_dma source(%dma_start3A_236 : memref<10368000xf32, #tpu.memory_space<hbm>>) target(%dma_start3A_232 : memref<128xf32, #tpu.memory_space<vmem>>) offsets(%dma_start3A_234 : memref<128xi32, #tpu.memory_space<vmem>>) semaphore(%arg11 : memref<!tpu.dma_semaphore, #tpu.memory_space<semaphore_mem>>)
    %dma_wait3A_237 = arith.constant 2304 : i32
    %dma_wait3A_238 = tpu.memref_slice %arg9[%dma_wait3A_237] : memref<4096xf32, #tpu.memory_space<vmem>> -> memref<128xf32, #tpu.memory_space<vmem>>
    %dma_wait3A_239 = arith.constant 2304 : i32
    %dma_wait3A_240 = tpu.memref_slice %arg8[%dma_wait3A_239] : memref<4096xi32, #tpu.memory_space<vmem>> -> memref<128xi32, #tpu.memory_space<vmem>>
    %dma_wait3A_241 = arith.constant 0 : i32
    %dma_wait3A_242 = tpu.memref_slice %arg4[%dma_wait3A_241] : memref<10368000xf32, #tpu.memory_space<hbm>> -> memref<10368000xf32, #tpu.memory_space<hbm>>
    tpu.wait_indirect_dma semaphore(%arg11 : memref<!tpu.dma_semaphore, #tpu.memory_space<semaphore_mem>>) src(%dma_wait3A_242 : memref<10368000xf32, #tpu.memory_space<hbm>>) dst(%dma_wait3A_238 : memref<128xf32, #tpu.memory_space<vmem>>)
    %dma_start3A_243 = arith.constant 2432 : i32
    %dma_start3A_244 = tpu.memref_slice %arg9[%dma_start3A_243] : memref<4096xf32, #tpu.memory_space<vmem>> -> memref<128xf32, #tpu.memory_space<vmem>>
    %dma_start3A_245 = arith.constant 2432 : i32
    %dma_start3A_246 = tpu.memref_slice %arg8[%dma_start3A_245] : memref<4096xi32, #tpu.memory_space<vmem>> -> memref<128xi32, #tpu.memory_space<vmem>>
    %dma_start3A_247 = arith.constant 0 : i32
    %dma_start3A_248 = tpu.memref_slice %arg4[%dma_start3A_247] : memref<10368000xf32, #tpu.memory_space<hbm>> -> memref<10368000xf32, #tpu.memory_space<hbm>>
    tpu.enqueue_indirect_dma source(%dma_start3A_248 : memref<10368000xf32, #tpu.memory_space<hbm>>) target(%dma_start3A_244 : memref<128xf32, #tpu.memory_space<vmem>>) offsets(%dma_start3A_246 : memref<128xi32, #tpu.memory_space<vmem>>) semaphore(%arg11 : memref<!tpu.dma_semaphore, #tpu.memory_space<semaphore_mem>>)
    %dma_wait3A_249 = arith.constant 2432 : i32
    %dma_wait3A_250 = tpu.memref_slice %arg9[%dma_wait3A_249] : memref<4096xf32, #tpu.memory_space<vmem>> -> memref<128xf32, #tpu.memory_space<vmem>>
    %dma_wait3A_251 = arith.constant 2432 : i32
    %dma_wait3A_252 = tpu.memref_slice %arg8[%dma_wait3A_251] : memref<4096xi32, #tpu.memory_space<vmem>> -> memref<128xi32, #tpu.memory_space<vmem>>
    %dma_wait3A_253 = arith.constant 0 : i32
    %dma_wait3A_254 = tpu.memref_slice %arg4[%dma_wait3A_253] : memref<10368000xf32, #tpu.memory_space<hbm>> -> memref<10368000xf32, #tpu.memory_space<hbm>>
    tpu.wait_indirect_dma semaphore(%arg11 : memref<!tpu.dma_semaphore, #tpu.memory_space<semaphore_mem>>) src(%dma_wait3A_254 : memref<10368000xf32, #tpu.memory_space<hbm>>) dst(%dma_wait3A_250 : memref<128xf32, #tpu.memory_space<vmem>>)
    %dma_start3A_255 = arith.constant 2560 : i32
    %dma_start3A_256 = tpu.memref_slice %arg9[%dma_start3A_255] : memref<4096xf32, #tpu.memory_space<vmem>> -> memref<128xf32, #tpu.memory_space<vmem>>
    %dma_start3A_257 = arith.constant 2560 : i32
    %dma_start3A_258 = tpu.memref_slice %arg8[%dma_start3A_257] : memref<4096xi32, #tpu.memory_space<vmem>> -> memref<128xi32, #tpu.memory_space<vmem>>
    %dma_start3A_259 = arith.constant 0 : i32
    %dma_start3A_260 = tpu.memref_slice %arg4[%dma_start3A_259] : memref<10368000xf32, #tpu.memory_space<hbm>> -> memref<10368000xf32, #tpu.memory_space<hbm>>
    tpu.enqueue_indirect_dma source(%dma_start3A_260 : memref<10368000xf32, #tpu.memory_space<hbm>>) target(%dma_start3A_256 : memref<128xf32, #tpu.memory_space<vmem>>) offsets(%dma_start3A_258 : memref<128xi32, #tpu.memory_space<vmem>>) semaphore(%arg11 : memref<!tpu.dma_semaphore, #tpu.memory_space<semaphore_mem>>)
    %dma_wait3A_261 = arith.constant 2560 : i32
    %dma_wait3A_262 = tpu.memref_slice %arg9[%dma_wait3A_261] : memref<4096xf32, #tpu.memory_space<vmem>> -> memref<128xf32, #tpu.memory_space<vmem>>
    %dma_wait3A_263 = arith.constant 2560 : i32
    %dma_wait3A_264 = tpu.memref_slice %arg8[%dma_wait3A_263] : memref<4096xi32, #tpu.memory_space<vmem>> -> memref<128xi32, #tpu.memory_space<vmem>>
    %dma_wait3A_265 = arith.constant 0 : i32
    %dma_wait3A_266 = tpu.memref_slice %arg4[%dma_wait3A_265] : memref<10368000xf32, #tpu.memory_space<hbm>> -> memref<10368000xf32, #tpu.memory_space<hbm>>
    tpu.wait_indirect_dma semaphore(%arg11 : memref<!tpu.dma_semaphore, #tpu.memory_space<semaphore_mem>>) src(%dma_wait3A_266 : memref<10368000xf32, #tpu.memory_space<hbm>>) dst(%dma_wait3A_262 : memref<128xf32, #tpu.memory_space<vmem>>)
    %dma_start3A_267 = arith.constant 2688 : i32
    %dma_start3A_268 = tpu.memref_slice %arg9[%dma_start3A_267] : memref<4096xf32, #tpu.memory_space<vmem>> -> memref<128xf32, #tpu.memory_space<vmem>>
    %dma_start3A_269 = arith.constant 2688 : i32
    %dma_start3A_270 = tpu.memref_slice %arg8[%dma_start3A_269] : memref<4096xi32, #tpu.memory_space<vmem>> -> memref<128xi32, #tpu.memory_space<vmem>>
    %dma_start3A_271 = arith.constant 0 : i32
    %dma_start3A_272 = tpu.memref_slice %arg4[%dma_start3A_271] : memref<10368000xf32, #tpu.memory_space<hbm>> -> memref<10368000xf32, #tpu.memory_space<hbm>>
    tpu.enqueue_indirect_dma source(%dma_start3A_272 : memref<10368000xf32, #tpu.memory_space<hbm>>) target(%dma_start3A_268 : memref<128xf32, #tpu.memory_space<vmem>>) offsets(%dma_start3A_270 : memref<128xi32, #tpu.memory_space<vmem>>) semaphore(%arg11 : memref<!tpu.dma_semaphore, #tpu.memory_space<semaphore_mem>>)
    %dma_wait3A_273 = arith.constant 2688 : i32
    %dma_wait3A_274 = tpu.memref_slice %arg9[%dma_wait3A_273] : memref<4096xf32, #tpu.memory_space<vmem>> -> memref<128xf32, #tpu.memory_space<vmem>>
    %dma_wait3A_275 = arith.constant 2688 : i32
    %dma_wait3A_276 = tpu.memref_slice %arg8[%dma_wait3A_275] : memref<4096xi32, #tpu.memory_space<vmem>> -> memref<128xi32, #tpu.memory_space<vmem>>
    %dma_wait3A_277 = arith.constant 0 : i32
    %dma_wait3A_278 = tpu.memref_slice %arg4[%dma_wait3A_277] : memref<10368000xf32, #tpu.memory_space<hbm>> -> memref<10368000xf32, #tpu.memory_space<hbm>>
    tpu.wait_indirect_dma semaphore(%arg11 : memref<!tpu.dma_semaphore, #tpu.memory_space<semaphore_mem>>) src(%dma_wait3A_278 : memref<10368000xf32, #tpu.memory_space<hbm>>) dst(%dma_wait3A_274 : memref<128xf32, #tpu.memory_space<vmem>>)
    %dma_start3A_279 = arith.constant 2816 : i32
    %dma_start3A_280 = tpu.memref_slice %arg9[%dma_start3A_279] : memref<4096xf32, #tpu.memory_space<vmem>> -> memref<128xf32, #tpu.memory_space<vmem>>
    %dma_start3A_281 = arith.constant 2816 : i32
    %dma_start3A_282 = tpu.memref_slice %arg8[%dma_start3A_281] : memref<4096xi32, #tpu.memory_space<vmem>> -> memref<128xi32, #tpu.memory_space<vmem>>
    %dma_start3A_283 = arith.constant 0 : i32
    %dma_start3A_284 = tpu.memref_slice %arg4[%dma_start3A_283] : memref<10368000xf32, #tpu.memory_space<hbm>> -> memref<10368000xf32, #tpu.memory_space<hbm>>
    tpu.enqueue_indirect_dma source(%dma_start3A_284 : memref<10368000xf32, #tpu.memory_space<hbm>>) target(%dma_start3A_280 : memref<128xf32, #tpu.memory_space<vmem>>) offsets(%dma_start3A_282 : memref<128xi32, #tpu.memory_space<vmem>>) semaphore(%arg11 : memref<!tpu.dma_semaphore, #tpu.memory_space<semaphore_mem>>)
    %dma_wait3A_285 = arith.constant 2816 : i32
    %dma_wait3A_286 = tpu.memref_slice %arg9[%dma_wait3A_285] : memref<4096xf32, #tpu.memory_space<vmem>> -> memref<128xf32, #tpu.memory_space<vmem>>
    %dma_wait3A_287 = arith.constant 2816 : i32
    %dma_wait3A_288 = tpu.memref_slice %arg8[%dma_wait3A_287] : memref<4096xi32, #tpu.memory_space<vmem>> -> memref<128xi32, #tpu.memory_space<vmem>>
    %dma_wait3A_289 = arith.constant 0 : i32
    %dma_wait3A_290 = tpu.memref_slice %arg4[%dma_wait3A_289] : memref<10368000xf32, #tpu.memory_space<hbm>> -> memref<10368000xf32, #tpu.memory_space<hbm>>
    tpu.wait_indirect_dma semaphore(%arg11 : memref<!tpu.dma_semaphore, #tpu.memory_space<semaphore_mem>>) src(%dma_wait3A_290 : memref<10368000xf32, #tpu.memory_space<hbm>>) dst(%dma_wait3A_286 : memref<128xf32, #tpu.memory_space<vmem>>)
    %dma_start3A_291 = arith.constant 2944 : i32
    %dma_start3A_292 = tpu.memref_slice %arg9[%dma_start3A_291] : memref<4096xf32, #tpu.memory_space<vmem>> -> memref<128xf32, #tpu.memory_space<vmem>>
    %dma_start3A_293 = arith.constant 2944 : i32
    %dma_start3A_294 = tpu.memref_slice %arg8[%dma_start3A_293] : memref<4096xi32, #tpu.memory_space<vmem>> -> memref<128xi32, #tpu.memory_space<vmem>>
    %dma_start3A_295 = arith.constant 0 : i32
    %dma_start3A_296 = tpu.memref_slice %arg4[%dma_start3A_295] : memref<10368000xf32, #tpu.memory_space<hbm>> -> memref<10368000xf32, #tpu.memory_space<hbm>>
    tpu.enqueue_indirect_dma source(%dma_start3A_296 : memref<10368000xf32, #tpu.memory_space<hbm>>) target(%dma_start3A_292 : memref<128xf32, #tpu.memory_space<vmem>>) offsets(%dma_start3A_294 : memref<128xi32, #tpu.memory_space<vmem>>) semaphore(%arg11 : memref<!tpu.dma_semaphore, #tpu.memory_space<semaphore_mem>>)
    %dma_wait3A_297 = arith.constant 2944 : i32
    %dma_wait3A_298 = tpu.memref_slice %arg9[%dma_wait3A_297] : memref<4096xf32, #tpu.memory_space<vmem>> -> memref<128xf32, #tpu.memory_space<vmem>>
    %dma_wait3A_299 = arith.constant 2944 : i32
    %dma_wait3A_300 = tpu.memref_slice %arg8[%dma_wait3A_299] : memref<4096xi32, #tpu.memory_space<vmem>> -> memref<128xi32, #tpu.memory_space<vmem>>
    %dma_wait3A_301 = arith.constant 0 : i32
    %dma_wait3A_302 = tpu.memref_slice %arg4[%dma_wait3A_301] : memref<10368000xf32, #tpu.memory_space<hbm>> -> memref<10368000xf32, #tpu.memory_space<hbm>>
    tpu.wait_indirect_dma semaphore(%arg11 : memref<!tpu.dma_semaphore, #tpu.memory_space<semaphore_mem>>) src(%dma_wait3A_302 : memref<10368000xf32, #tpu.memory_space<hbm>>) dst(%dma_wait3A_298 : memref<128xf32, #tpu.memory_space<vmem>>)
    %dma_start3A_303 = arith.constant 3072 : i32
    %dma_start3A_304 = tpu.memref_slice %arg9[%dma_start3A_303] : memref<4096xf32, #tpu.memory_space<vmem>> -> memref<128xf32, #tpu.memory_space<vmem>>
    %dma_start3A_305 = arith.constant 3072 : i32
    %dma_start3A_306 = tpu.memref_slice %arg8[%dma_start3A_305] : memref<4096xi32, #tpu.memory_space<vmem>> -> memref<128xi32, #tpu.memory_space<vmem>>
    %dma_start3A_307 = arith.constant 0 : i32
    %dma_start3A_308 = tpu.memref_slice %arg4[%dma_start3A_307] : memref<10368000xf32, #tpu.memory_space<hbm>> -> memref<10368000xf32, #tpu.memory_space<hbm>>
    tpu.enqueue_indirect_dma source(%dma_start3A_308 : memref<10368000xf32, #tpu.memory_space<hbm>>) target(%dma_start3A_304 : memref<128xf32, #tpu.memory_space<vmem>>) offsets(%dma_start3A_306 : memref<128xi32, #tpu.memory_space<vmem>>) semaphore(%arg11 : memref<!tpu.dma_semaphore, #tpu.memory_space<semaphore_mem>>)
    %dma_wait3A_309 = arith.constant 3072 : i32
    %dma_wait3A_310 = tpu.memref_slice %arg9[%dma_wait3A_309] : memref<4096xf32, #tpu.memory_space<vmem>> -> memref<128xf32, #tpu.memory_space<vmem>>
    %dma_wait3A_311 = arith.constant 3072 : i32
    %dma_wait3A_312 = tpu.memref_slice %arg8[%dma_wait3A_311] : memref<4096xi32, #tpu.memory_space<vmem>> -> memref<128xi32, #tpu.memory_space<vmem>>
    %dma_wait3A_313 = arith.constant 0 : i32
    %dma_wait3A_314 = tpu.memref_slice %arg4[%dma_wait3A_313] : memref<10368000xf32, #tpu.memory_space<hbm>> -> memref<10368000xf32, #tpu.memory_space<hbm>>
    tpu.wait_indirect_dma semaphore(%arg11 : memref<!tpu.dma_semaphore, #tpu.memory_space<semaphore_mem>>) src(%dma_wait3A_314 : memref<10368000xf32, #tpu.memory_space<hbm>>) dst(%dma_wait3A_310 : memref<128xf32, #tpu.memory_space<vmem>>)
    %dma_start3A_315 = arith.constant 3200 : i32
    %dma_start3A_316 = tpu.memref_slice %arg9[%dma_start3A_315] : memref<4096xf32, #tpu.memory_space<vmem>> -> memref<128xf32, #tpu.memory_space<vmem>>
    %dma_start3A_317 = arith.constant 3200 : i32
    %dma_start3A_318 = tpu.memref_slice %arg8[%dma_start3A_317] : memref<4096xi32, #tpu.memory_space<vmem>> -> memref<128xi32, #tpu.memory_space<vmem>>
    %dma_start3A_319 = arith.constant 0 : i32
    %dma_start3A_320 = tpu.memref_slice %arg4[%dma_start3A_319] : memref<10368000xf32, #tpu.memory_space<hbm>> -> memref<10368000xf32, #tpu.memory_space<hbm>>
    tpu.enqueue_indirect_dma source(%dma_start3A_320 : memref<10368000xf32, #tpu.memory_space<hbm>>) target(%dma_start3A_316 : memref<128xf32, #tpu.memory_space<vmem>>) offsets(%dma_start3A_318 : memref<128xi32, #tpu.memory_space<vmem>>) semaphore(%arg11 : memref<!tpu.dma_semaphore, #tpu.memory_space<semaphore_mem>>)
    %dma_wait3A_321 = arith.constant 3200 : i32
    %dma_wait3A_322 = tpu.memref_slice %arg9[%dma_wait3A_321] : memref<4096xf32, #tpu.memory_space<vmem>> -> memref<128xf32, #tpu.memory_space<vmem>>
    %dma_wait3A_323 = arith.constant 3200 : i32
    %dma_wait3A_324 = tpu.memref_slice %arg8[%dma_wait3A_323] : memref<4096xi32, #tpu.memory_space<vmem>> -> memref<128xi32, #tpu.memory_space<vmem>>
    %dma_wait3A_325 = arith.constant 0 : i32
    %dma_wait3A_326 = tpu.memref_slice %arg4[%dma_wait3A_325] : memref<10368000xf32, #tpu.memory_space<hbm>> -> memref<10368000xf32, #tpu.memory_space<hbm>>
    tpu.wait_indirect_dma semaphore(%arg11 : memref<!tpu.dma_semaphore, #tpu.memory_space<semaphore_mem>>) src(%dma_wait3A_326 : memref<10368000xf32, #tpu.memory_space<hbm>>) dst(%dma_wait3A_322 : memref<128xf32, #tpu.memory_space<vmem>>)
    %dma_start3A_327 = arith.constant 3328 : i32
    %dma_start3A_328 = tpu.memref_slice %arg9[%dma_start3A_327] : memref<4096xf32, #tpu.memory_space<vmem>> -> memref<128xf32, #tpu.memory_space<vmem>>
    %dma_start3A_329 = arith.constant 3328 : i32
    %dma_start3A_330 = tpu.memref_slice %arg8[%dma_start3A_329] : memref<4096xi32, #tpu.memory_space<vmem>> -> memref<128xi32, #tpu.memory_space<vmem>>
    %dma_start3A_331 = arith.constant 0 : i32
    %dma_start3A_332 = tpu.memref_slice %arg4[%dma_start3A_331] : memref<10368000xf32, #tpu.memory_space<hbm>> -> memref<10368000xf32, #tpu.memory_space<hbm>>
    tpu.enqueue_indirect_dma source(%dma_start3A_332 : memref<10368000xf32, #tpu.memory_space<hbm>>) target(%dma_start3A_328 : memref<128xf32, #tpu.memory_space<vmem>>) offsets(%dma_start3A_330 : memref<128xi32, #tpu.memory_space<vmem>>) semaphore(%arg11 : memref<!tpu.dma_semaphore, #tpu.memory_space<semaphore_mem>>)
    %dma_wait3A_333 = arith.constant 3328 : i32
    %dma_wait3A_334 = tpu.memref_slice %arg9[%dma_wait3A_333] : memref<4096xf32, #tpu.memory_space<vmem>> -> memref<128xf32, #tpu.memory_space<vmem>>
    %dma_wait3A_335 = arith.constant 3328 : i32
    %dma_wait3A_336 = tpu.memref_slice %arg8[%dma_wait3A_335] : memref<4096xi32, #tpu.memory_space<vmem>> -> memref<128xi32, #tpu.memory_space<vmem>>
    %dma_wait3A_337 = arith.constant 0 : i32
    %dma_wait3A_338 = tpu.memref_slice %arg4[%dma_wait3A_337] : memref<10368000xf32, #tpu.memory_space<hbm>> -> memref<10368000xf32, #tpu.memory_space<hbm>>
    tpu.wait_indirect_dma semaphore(%arg11 : memref<!tpu.dma_semaphore, #tpu.memory_space<semaphore_mem>>) src(%dma_wait3A_338 : memref<10368000xf32, #tpu.memory_space<hbm>>) dst(%dma_wait3A_334 : memref<128xf32, #tpu.memory_space<vmem>>)
    %dma_start3A_339 = arith.constant 3456 : i32
    %dma_start3A_340 = tpu.memref_slice %arg9[%dma_start3A_339] : memref<4096xf32, #tpu.memory_space<vmem>> -> memref<128xf32, #tpu.memory_space<vmem>>
    %dma_start3A_341 = arith.constant 3456 : i32
    %dma_start3A_342 = tpu.memref_slice %arg8[%dma_start3A_341] : memref<4096xi32, #tpu.memory_space<vmem>> -> memref<128xi32, #tpu.memory_space<vmem>>
    %dma_start3A_343 = arith.constant 0 : i32
    %dma_start3A_344 = tpu.memref_slice %arg4[%dma_start3A_343] : memref<10368000xf32, #tpu.memory_space<hbm>> -> memref<10368000xf32, #tpu.memory_space<hbm>>
    tpu.enqueue_indirect_dma source(%dma_start3A_344 : memref<10368000xf32, #tpu.memory_space<hbm>>) target(%dma_start3A_340 : memref<128xf32, #tpu.memory_space<vmem>>) offsets(%dma_start3A_342 : memref<128xi32, #tpu.memory_space<vmem>>) semaphore(%arg11 : memref<!tpu.dma_semaphore, #tpu.memory_space<semaphore_mem>>)
    %dma_wait3A_345 = arith.constant 3456 : i32
    %dma_wait3A_346 = tpu.memref_slice %arg9[%dma_wait3A_345] : memref<4096xf32, #tpu.memory_space<vmem>> -> memref<128xf32, #tpu.memory_space<vmem>>
    %dma_wait3A_347 = arith.constant 3456 : i32
    %dma_wait3A_348 = tpu.memref_slice %arg8[%dma_wait3A_347] : memref<4096xi32, #tpu.memory_space<vmem>> -> memref<128xi32, #tpu.memory_space<vmem>>
    %dma_wait3A_349 = arith.constant 0 : i32
    %dma_wait3A_350 = tpu.memref_slice %arg4[%dma_wait3A_349] : memref<10368000xf32, #tpu.memory_space<hbm>> -> memref<10368000xf32, #tpu.memory_space<hbm>>
    tpu.wait_indirect_dma semaphore(%arg11 : memref<!tpu.dma_semaphore, #tpu.memory_space<semaphore_mem>>) src(%dma_wait3A_350 : memref<10368000xf32, #tpu.memory_space<hbm>>) dst(%dma_wait3A_346 : memref<128xf32, #tpu.memory_space<vmem>>)
    %dma_start3A_351 = arith.constant 3584 : i32
    %dma_start3A_352 = tpu.memref_slice %arg9[%dma_start3A_351] : memref<4096xf32, #tpu.memory_space<vmem>> -> memref<128xf32, #tpu.memory_space<vmem>>
    %dma_start3A_353 = arith.constant 3584 : i32
    %dma_start3A_354 = tpu.memref_slice %arg8[%dma_start3A_353] : memref<4096xi32, #tpu.memory_space<vmem>> -> memref<128xi32, #tpu.memory_space<vmem>>
    %dma_start3A_355 = arith.constant 0 : i32
    %dma_start3A_356 = tpu.memref_slice %arg4[%dma_start3A_355] : memref<10368000xf32, #tpu.memory_space<hbm>> -> memref<10368000xf32, #tpu.memory_space<hbm>>
    tpu.enqueue_indirect_dma source(%dma_start3A_356 : memref<10368000xf32, #tpu.memory_space<hbm>>) target(%dma_start3A_352 : memref<128xf32, #tpu.memory_space<vmem>>) offsets(%dma_start3A_354 : memref<128xi32, #tpu.memory_space<vmem>>) semaphore(%arg11 : memref<!tpu.dma_semaphore, #tpu.memory_space<semaphore_mem>>)
    %dma_wait3A_357 = arith.constant 3584 : i32
    %dma_wait3A_358 = tpu.memref_slice %arg9[%dma_wait3A_357] : memref<4096xf32, #tpu.memory_space<vmem>> -> memref<128xf32, #tpu.memory_space<vmem>>
    %dma_wait3A_359 = arith.constant 3584 : i32
    %dma_wait3A_360 = tpu.memref_slice %arg8[%dma_wait3A_359] : memref<4096xi32, #tpu.memory_space<vmem>> -> memref<128xi32, #tpu.memory_space<vmem>>
    %dma_wait3A_361 = arith.constant 0 : i32
    %dma_wait3A_362 = tpu.memref_slice %arg4[%dma_wait3A_361] : memref<10368000xf32, #tpu.memory_space<hbm>> -> memref<10368000xf32, #tpu.memory_space<hbm>>
    tpu.wait_indirect_dma semaphore(%arg11 : memref<!tpu.dma_semaphore, #tpu.memory_space<semaphore_mem>>) src(%dma_wait3A_362 : memref<10368000xf32, #tpu.memory_space<hbm>>) dst(%dma_wait3A_358 : memref<128xf32, #tpu.memory_space<vmem>>)
    %dma_start3A_363 = arith.constant 3712 : i32
    %dma_start3A_364 = tpu.memref_slice %arg9[%dma_start3A_363] : memref<4096xf32, #tpu.memory_space<vmem>> -> memref<128xf32, #tpu.memory_space<vmem>>
    %dma_start3A_365 = arith.constant 3712 : i32
    %dma_start3A_366 = tpu.memref_slice %arg8[%dma_start3A_365] : memref<4096xi32, #tpu.memory_space<vmem>> -> memref<128xi32, #tpu.memory_space<vmem>>
    %dma_start3A_367 = arith.constant 0 : i32
    %dma_start3A_368 = tpu.memref_slice %arg4[%dma_start3A_367] : memref<10368000xf32, #tpu.memory_space<hbm>> -> memref<10368000xf32, #tpu.memory_space<hbm>>
    tpu.enqueue_indirect_dma source(%dma_start3A_368 : memref<10368000xf32, #tpu.memory_space<hbm>>) target(%dma_start3A_364 : memref<128xf32, #tpu.memory_space<vmem>>) offsets(%dma_start3A_366 : memref<128xi32, #tpu.memory_space<vmem>>) semaphore(%arg11 : memref<!tpu.dma_semaphore, #tpu.memory_space<semaphore_mem>>)
    %dma_wait3A_369 = arith.constant 3712 : i32
    %dma_wait3A_370 = tpu.memref_slice %arg9[%dma_wait3A_369] : memref<4096xf32, #tpu.memory_space<vmem>> -> memref<128xf32, #tpu.memory_space<vmem>>
    %dma_wait3A_371 = arith.constant 3712 : i32
    %dma_wait3A_372 = tpu.memref_slice %arg8[%dma_wait3A_371] : memref<4096xi32, #tpu.memory_space<vmem>> -> memref<128xi32, #tpu.memory_space<vmem>>
    %dma_wait3A_373 = arith.constant 0 : i32
    %dma_wait3A_374 = tpu.memref_slice %arg4[%dma_wait3A_373] : memref<10368000xf32, #tpu.memory_space<hbm>> -> memref<10368000xf32, #tpu.memory_space<hbm>>
    tpu.wait_indirect_dma semaphore(%arg11 : memref<!tpu.dma_semaphore, #tpu.memory_space<semaphore_mem>>) src(%dma_wait3A_374 : memref<10368000xf32, #tpu.memory_space<hbm>>) dst(%dma_wait3A_370 : memref<128xf32, #tpu.memory_space<vmem>>)
    %dma_start3A_375 = arith.constant 3840 : i32
    %dma_start3A_376 = tpu.memref_slice %arg9[%dma_start3A_375] : memref<4096xf32, #tpu.memory_space<vmem>> -> memref<128xf32, #tpu.memory_space<vmem>>
    %dma_start3A_377 = arith.constant 3840 : i32
    %dma_start3A_378 = tpu.memref_slice %arg8[%dma_start3A_377] : memref<4096xi32, #tpu.memory_space<vmem>> -> memref<128xi32, #tpu.memory_space<vmem>>
    %dma_start3A_379 = arith.constant 0 : i32
    %dma_start3A_380 = tpu.memref_slice %arg4[%dma_start3A_379] : memref<10368000xf32, #tpu.memory_space<hbm>> -> memref<10368000xf32, #tpu.memory_space<hbm>>
    tpu.enqueue_indirect_dma source(%dma_start3A_380 : memref<10368000xf32, #tpu.memory_space<hbm>>) target(%dma_start3A_376 : memref<128xf32, #tpu.memory_space<vmem>>) offsets(%dma_start3A_378 : memref<128xi32, #tpu.memory_space<vmem>>) semaphore(%arg11 : memref<!tpu.dma_semaphore, #tpu.memory_space<semaphore_mem>>)
    %dma_wait3A_381 = arith.constant 3840 : i32
    %dma_wait3A_382 = tpu.memref_slice %arg9[%dma_wait3A_381] : memref<4096xf32, #tpu.memory_space<vmem>> -> memref<128xf32, #tpu.memory_space<vmem>>
    %dma_wait3A_383 = arith.constant 3840 : i32
    %dma_wait3A_384 = tpu.memref_slice %arg8[%dma_wait3A_383] : memref<4096xi32, #tpu.memory_space<vmem>> -> memref<128xi32, #tpu.memory_space<vmem>>
    %dma_wait3A_385 = arith.constant 0 : i32
    %dma_wait3A_386 = tpu.memref_slice %arg4[%dma_wait3A_385] : memref<10368000xf32, #tpu.memory_space<hbm>> -> memref<10368000xf32, #tpu.memory_space<hbm>>
    tpu.wait_indirect_dma semaphore(%arg11 : memref<!tpu.dma_semaphore, #tpu.memory_space<semaphore_mem>>) src(%dma_wait3A_386 : memref<10368000xf32, #tpu.memory_space<hbm>>) dst(%dma_wait3A_382 : memref<128xf32, #tpu.memory_space<vmem>>)
    %dma_start3A_387 = arith.constant 3968 : i32
    %dma_start3A_388 = tpu.memref_slice %arg9[%dma_start3A_387] : memref<4096xf32, #tpu.memory_space<vmem>> -> memref<128xf32, #tpu.memory_space<vmem>>
    %dma_start3A_389 = arith.constant 3968 : i32
    %dma_start3A_390 = tpu.memref_slice %arg8[%dma_start3A_389] : memref<4096xi32, #tpu.memory_space<vmem>> -> memref<128xi32, #tpu.memory_space<vmem>>
    %dma_start3A_391 = arith.constant 0 : i32
    %dma_start3A_392 = tpu.memref_slice %arg4[%dma_start3A_391] : memref<10368000xf32, #tpu.memory_space<hbm>> -> memref<10368000xf32, #tpu.memory_space<hbm>>
    tpu.enqueue_indirect_dma source(%dma_start3A_392 : memref<10368000xf32, #tpu.memory_space<hbm>>) target(%dma_start3A_388 : memref<128xf32, #tpu.memory_space<vmem>>) offsets(%dma_start3A_390 : memref<128xi32, #tpu.memory_space<vmem>>) semaphore(%arg11 : memref<!tpu.dma_semaphore, #tpu.memory_space<semaphore_mem>>)
    %dma_wait3A_393 = arith.constant 3968 : i32
    %dma_wait3A_394 = tpu.memref_slice %arg9[%dma_wait3A_393] : memref<4096xf32, #tpu.memory_space<vmem>> -> memref<128xf32, #tpu.memory_space<vmem>>
    %dma_wait3A_395 = arith.constant 3968 : i32
    %dma_wait3A_396 = tpu.memref_slice %arg8[%dma_wait3A_395] : memref<4096xi32, #tpu.memory_space<vmem>> -> memref<128xi32, #tpu.memory_space<vmem>>
    %dma_wait3A_397 = arith.constant 0 : i32
    %dma_wait3A_398 = tpu.memref_slice %arg4[%dma_wait3A_397] : memref<10368000xf32, #tpu.memory_space<hbm>> -> memref<10368000xf32, #tpu.memory_space<hbm>>
    tpu.wait_indirect_dma semaphore(%arg11 : memref<!tpu.dma_semaphore, #tpu.memory_space<semaphore_mem>>) src(%dma_wait3A_398 : memref<10368000xf32, #tpu.memory_space<hbm>>) dst(%dma_wait3A_394 : memref<128xf32, #tpu.memory_space<vmem>>)
    %broadcast_in_dim3A = arith.constant 0.000000e+00 : f32
    %broadcast_in_dim3A_399 = vector.broadcast %broadcast_in_dim3A : f32 to vector<16xf32>
    %scan3A_400 = arith.constant 0 : i32
    %scan3A_401 = arith.constant 64 : i32
    %scan3A_402 = arith.addi %scan3A_400, %scan3A_401 : i32
    %scan3A_403 = arith.constant 1 : i32
    %scan3A_404:2 = scf.for %scan3A_420 = %scan3A_400 to %scan3A_402 step %scan3A_403 iter_args(%scan3A_421 = %broadcast_in_dim3A_399, %scan3A_422 = %broadcast_in_dim3A_399) -> (vector<16xf32>, vector<16xf32>)  : i32 {
      %mul3A_423 = arith.constant 16 : i32
      %mul3A_424 = arith.muli %scan3A_420, %mul3A_423 : i32
      %get3A = arith.index_cast %mul3A_424 : i32 to index
      %get3A_425 = tpu.vector_load %arg6[%get3A] {strides = array<i32>} : memref<1024xi32, #tpu.memory_space<vmem>>, vector<16xi32>,
      %get3A_426 = vector.shape_cast %get3A_425 : vector<16xi32> to vector<16xi32>
      %min3A = arith.constant 1 : i32
      %min3A_427 = vector.broadcast %min3A : i32 to vector<16xi32>
      %min3A_428 = arith.minsi %get3A_426, %min3A_427 : vector<16xi32>
      %convert_element_type3A = arith.sitofp %min3A_428 : vector<16xi32> to vector<16xf32>
      %add3A_429 = arith.addf %scan3A_422, %convert_element_type3A : vector<16xf32>
      %mul3A_430 = arith.constant 16 : i32
      %mul3A_431 = arith.muli %scan3A_420, %mul3A_430 : i32
      %add3A_432 = arith.constant 0 : i32
      %add3A_433 = arith.addi %add3A_432, %mul3A_431 : i32
      %get3A_434 = arith.index_cast %add3A_433 : i32 to index
      %get3A_435 = tpu.vector_load %arg9[%get3A_434] {strides = array<i32>} : memref<4096xf32, #tpu.memory_space<vmem>>, vector<16xf32>,
      %get3A_436 = vector.shape_cast %get3A_435 : vector<16xf32> to vector<16xf32>
      %mul3A_437 = arith.constant 16 : i32
      %mul3A_438 = arith.muli %scan3A_420, %mul3A_437 : i32
      %add3A_439 = arith.constant 0 : i32
      %add3A_440 = arith.addi %add3A_439, %mul3A_438 : i32
      %get3A_441 = arith.index_cast %add3A_440 : i32 to index
      %get3A_442 = tpu.vector_load %arg7[%get3A_441] {strides = array<i32>} : memref<4096xf32, #tpu.memory_space<vmem>>, vector<16xf32>,
      %get3A_443 = vector.shape_cast %get3A_442 : vector<16xf32> to vector<16xf32>
      %sub3A = arith.subf %get3A_443, %get3A_436 : vector<16xf32>
      %abs3A = math.absf %sub3A : vector<16xf32>
      %min3A_444 = arith.constant 1.000000e+00 : f32
      %min3A_445 = vector.broadcast %min3A_444 : f32 to vector<16xf32>
      %min3A_446 = arith.minimumf %abs3A, %min3A_445 : vector<16xf32>
      %mul3A_447 = arith.constant 5.000000e-01 : f32
      %mul3A_448 = vector.broadcast %mul3A_447 : f32 to vector<16xf32>
      %mul3A_449 = arith.mulf %mul3A_448, %min3A_446 : vector<16xf32>
      %mul3A_450 = arith.mulf %mul3A_449, %min3A_446 : vector<16xf32>
      %max3A = arith.constant 1.000000e+00 : f32
      %max3A_451 = vector.broadcast %max3A : f32 to vector<16xf32>
      %max3A_452 = arith.maximumf %abs3A, %max3A_451 : vector<16xf32>
      %add3A_453 = arith.addf %mul3A_450, %max3A_452 : vector<16xf32>
      %sub3A_454 = arith.constant 1.000000e+00 : f32
      %sub3A_455 = vector.broadcast %sub3A_454 : f32 to vector<16xf32>
      %sub3A_456 = arith.subf %add3A_453, %sub3A_455 : vector<16xf32>
      %mul3A_457 = arith.mulf %sub3A_456, %convert_element_type3A : vector<16xf32>
      %add3A_458 = arith.addf %scan3A_421, %mul3A_457 : vector<16xf32>
      %mul3A_459 = arith.constant 16 : i32
      %mul3A_460 = arith.muli %scan3A_420, %mul3A_459 : i32
      %add3A_461 = arith.constant 1024 : i32
      %add3A_462 = arith.addi %add3A_461, %mul3A_460 : i32
      %get3A_463 = arith.index_cast %add3A_462 : i32 to index
      %get3A_464 = tpu.vector_load %arg9[%get3A_463] {strides = array<i32>} : memref<4096xf32, #tpu.memory_space<vmem>>, vector<16xf32>,
      %get3A_465 = vector.shape_cast %get3A_464 : vector<16xf32> to vector<16xf32>
      %mul3A_466 = arith.constant 16 : i32
      %mul3A_467 = arith.muli %scan3A_420, %mul3A_466 : i32
      %add3A_468 = arith.constant 1024 : i32
      %add3A_469 = arith.addi %add3A_468, %mul3A_467 : i32
      %get3A_470 = arith.index_cast %add3A_469 : i32 to index
      %get3A_471 = tpu.vector_load %arg7[%get3A_470] {strides = array<i32>} : memref<4096xf32, #tpu.memory_space<vmem>>, vector<16xf32>,
      %get3A_472 = vector.shape_cast %get3A_471 : vector<16xf32> to vector<16xf32>
      %sub3A_473 = arith.subf %get3A_472, %get3A_465 : vector<16xf32>
      %abs3A_474 = math.absf %sub3A_473 : vector<16xf32>
      %min3A_475 = arith.constant 1.000000e+00 : f32
      %min3A_476 = vector.broadcast %min3A_475 : f32 to vector<16xf32>
      %min3A_477 = arith.minimumf %abs3A_474, %min3A_476 : vector<16xf32>
      %mul3A_478 = arith.constant 5.000000e-01 : f32
      %mul3A_479 = vector.broadcast %mul3A_478 : f32 to vector<16xf32>
      %mul3A_480 = arith.mulf %mul3A_479, %min3A_477 : vector<16xf32>
      %mul3A_481 = arith.mulf %mul3A_480, %min3A_477 : vector<16xf32>
      %max3A_482 = arith.constant 1.000000e+00 : f32
      %max3A_483 = vector.broadcast %max3A_482 : f32 to vector<16xf32>
      %max3A_484 = arith.maximumf %abs3A_474, %max3A_483 : vector<16xf32>
      %add3A_485 = arith.addf %mul3A_481, %max3A_484 : vector<16xf32>
      %sub3A_486 = arith.constant 1.000000e+00 : f32
      %sub3A_487 = vector.broadcast %sub3A_486 : f32 to vector<16xf32>
      %sub3A_488 = arith.subf %add3A_485, %sub3A_487 : vector<16xf32>
      %mul3A_489 = arith.mulf %sub3A_488, %convert_element_type3A : vector<16xf32>
      %add3A_490 = arith.addf %add3A_458, %mul3A_489 : vector<16xf32>
      %mul3A_491 = arith.constant 16 : i32
      %mul3A_492 = arith.muli %scan3A_420, %mul3A_491 : i32
      %add3A_493 = arith.constant 2048 : i32
      %add3A_494 = arith.addi %add3A_493, %mul3A_492 : i32
      %get3A_495 = arith.index_cast %add3A_494 : i32 to index
      %get3A_496 = tpu.vector_load %arg9[%get3A_495] {strides = array<i32>} : memref<4096xf32, #tpu.memory_space<vmem>>, vector<16xf32>,
      %get3A_497 = vector.shape_cast %get3A_496 : vector<16xf32> to vector<16xf32>
      %mul3A_498 = arith.constant 16 : i32
      %mul3A_499 = arith.muli %scan3A_420, %mul3A_498 : i32
      %add3A_500 = arith.constant 2048 : i32
      %add3A_501 = arith.addi %add3A_500, %mul3A_499 : i32
      %get3A_502 = arith.index_cast %add3A_501 : i32 to index
      %get3A_503 = tpu.vector_load %arg7[%get3A_502] {strides = array<i32>} : memref<4096xf32, #tpu.memory_space<vmem>>, vector<16xf32>,
      %get3A_504 = vector.shape_cast %get3A_503 : vector<16xf32> to vector<16xf32>
      %sub3A_505 = arith.subf %get3A_504, %get3A_497 : vector<16xf32>
      %abs3A_506 = math.absf %sub3A_505 : vector<16xf32>
      %min3A_507 = arith.constant 1.000000e+00 : f32
      %min3A_508 = vector.broadcast %min3A_507 : f32 to vector<16xf32>
      %min3A_509 = arith.minimumf %abs3A_506, %min3A_508 : vector<16xf32>
      %mul3A_510 = arith.constant 5.000000e-01 : f32
      %mul3A_511 = vector.broadcast %mul3A_510 : f32 to vector<16xf32>
      %mul3A_512 = arith.mulf %mul3A_511, %min3A_509 : vector<16xf32>
      %mul3A_513 = arith.mulf %mul3A_512, %min3A_509 : vector<16xf32>
      %max3A_514 = arith.constant 1.000000e+00 : f32
      %max3A_515 = vector.broadcast %max3A_514 : f32 to vector<16xf32>
      %max3A_516 = arith.maximumf %abs3A_506, %max3A_515 : vector<16xf32>
      %add3A_517 = arith.addf %mul3A_513, %max3A_516 : vector<16xf32>
      %sub3A_518 = arith.constant 1.000000e+00 : f32
      %sub3A_519 = vector.broadcast %sub3A_518 : f32 to vector<16xf32>
      %sub3A_520 = arith.subf %add3A_517, %sub3A_519 : vector<16xf32>
      %mul3A_521 = arith.mulf %sub3A_520, %convert_element_type3A : vector<16xf32>
      %add3A_522 = arith.addf %add3A_490, %mul3A_521 : vector<16xf32>
      %mul3A_523 = arith.constant 16 : i32
      %mul3A_524 = arith.muli %scan3A_420, %mul3A_523 : i32
      %add3A_525 = arith.constant 3072 : i32
      %add3A_526 = arith.addi %add3A_525, %mul3A_524 : i32
      %get3A_527 = arith.index_cast %add3A_526 : i32 to index
      %get3A_528 = tpu.vector_load %arg9[%get3A_527] {strides = array<i32>} : memref<4096xf32, #tpu.memory_space<vmem>>, vector<16xf32>,
      %get3A_529 = vector.shape_cast %get3A_528 : vector<16xf32> to vector<16xf32>
      %mul3A_530 = arith.constant 16 : i32
      %mul3A_531 = arith.muli %scan3A_420, %mul3A_530 : i32
      %add3A_532 = arith.constant 3072 : i32
      %add3A_533 = arith.addi %add3A_532, %mul3A_531 : i32
      %get3A_534 = arith.index_cast %add3A_533 : i32 to index
      %get3A_535 = tpu.vector_load %arg7[%get3A_534] {strides = array<i32>} : memref<4096xf32, #tpu.memory_space<vmem>>, vector<16xf32>,
      %get3A_536 = vector.shape_cast %get3A_535 : vector<16xf32> to vector<16xf32>
      %sub3A_537 = arith.subf %get3A_536, %get3A_529 : vector<16xf32>
      %abs3A_538 = math.absf %sub3A_537 : vector<16xf32>
      %min3A_539 = arith.constant 1.000000e+00 : f32
      %min3A_540 = vector.broadcast %min3A_539 : f32 to vector<16xf32>
      %min3A_541 = arith.minimumf %abs3A_538, %min3A_540 : vector<16xf32>
      %mul3A_542 = arith.constant 5.000000e-01 : f32
      %mul3A_543 = vector.broadcast %mul3A_542 : f32 to vector<16xf32>
      %mul3A_544 = arith.mulf %mul3A_543, %min3A_541 : vector<16xf32>
      %mul3A_545 = arith.mulf %mul3A_544, %min3A_541 : vector<16xf32>
      %max3A_546 = arith.constant 1.000000e+00 : f32
      %max3A_547 = vector.broadcast %max3A_546 : f32 to vector<16xf32>
      %max3A_548 = arith.maximumf %abs3A_538, %max3A_547 : vector<16xf32>
      %add3A_549 = arith.addf %mul3A_545, %max3A_548 : vector<16xf32>
      %sub3A_550 = arith.constant 1.000000e+00 : f32
      %sub3A_551 = vector.broadcast %sub3A_550 : f32 to vector<16xf32>
      %sub3A_552 = arith.subf %add3A_549, %sub3A_551 : vector<16xf32>
      %mul3A_553 = arith.mulf %sub3A_552, %convert_element_type3A : vector<16xf32>
      %add3A_554 = arith.addf %add3A_522, %mul3A_553 : vector<16xf32>
      scf.yield %add3A_554, %add3A_429 : vector<16xf32>, vector<16xf32>
    }
    %scan3A_405 = arith.constant 64 : i32
    %swap3A = arith.constant 0 : i32
    %swap3A_406 = arith.index_cast %swap3A : i32 to index
    %swap3A_407 = arith.constant 0 : index
    %swap3A_408 = tpu.vector_load %arg10[%swap3A_406, %swap3A_407] {strides = array<i32>} : memref<2x16xf32, #tpu.memory_space<vmem>>, vector<1x16xf32>,
    %swap3A_409 = vector.shape_cast %swap3A_408 : vector<1x16xf32> to vector<16xf32>
    %swap3A_410 = vector.shape_cast %scan3A_404#0 : vector<16xf32> to vector<1x16xf32>
    tpu.vector_store %arg10[%swap3A_406, %swap3A_407], %swap3A_410 {strides = array<i32>} : memref<2x16xf32, #tpu.memory_space<vmem>>, vector<1x16xf32>,
    %mul3A_411 = arith.constant 4.000000e+00 : f32
    %mul3A_412 = vector.broadcast %mul3A_411 : f32 to vector<16xf32>
    %mul3A_413 = arith.mulf %scan3A_404#1, %mul3A_412 : vector<16xf32>
    %swap3A_414 = arith.constant 1 : i32
    %swap3A_415 = arith.index_cast %swap3A_414 : i32 to index
    %swap3A_416 = arith.constant 0 : index
    %swap3A_417 = tpu.vector_load %arg10[%swap3A_415, %swap3A_416] {strides = array<i32>} : memref<2x16xf32, #tpu.memory_space<vmem>>, vector<1x16xf32>,
    %swap3A_418 = vector.shape_cast %swap3A_417 : vector<1x16xf32> to vector<16xf32>
    %swap3A_419 = vector.shape_cast %mul3A_413 : vector<16xf32> to vector<1x16xf32>
    tpu.vector_store %arg10[%swap3A_415, %swap3A_416], %swap3A_419 {strides = array<i32>} : memref<2x16xf32, #tpu.memory_space<vmem>>, vector<1x16xf32>,
    "tpu.region"() ({
      %run_scoped3A = tpu.sem_alloc : memref<!tpu.dma_semaphore, #tpu.memory_space<semaphore_mem>>
      %dma_start3A_420 = arith.constant 0 : i32
      %dma_start3A_421 = arith.constant 0 : i32
      %dma_start3A_422 = tpu.memref_slice %arg5[%add3A, %dma_start3A_420, %dma_start3A_421] : memref<32x2x16xf32, #tpu.memory_space<hbm>> -> memref<1x2x16xf32, #tpu.memory_space<hbm>>
      %dma_start3A_423 = tpu.memref_squeeze %dma_start3A_422 : memref<1x2x16xf32, #tpu.memory_space<hbm>> -> memref<2x16xf32, #tpu.memory_space<hbm>>
      %dma_start3A_424 = arith.constant 0 : i32
      %dma_start3A_425 = arith.constant 0 : i32
      %dma_start3A_426 = tpu.memref_slice %arg5[%add3A, %dma_start3A_424, %dma_start3A_425] : memref<32x2x16xf32, #tpu.memory_space<hbm>> -> memref<1x2x16xf32, #tpu.memory_space<hbm>>
      %dma_start3A_427 = tpu.memref_squeeze %dma_start3A_426 : memref<1x2x16xf32, #tpu.memory_space<hbm>> -> memref<2x16xf32, #tpu.memory_space<hbm>>
      tpu.enqueue_dma source(%arg10 : memref<2x16xf32, #tpu.memory_space<vmem>>) target(%dma_start3A_427 : memref<2x16xf32, #tpu.memory_space<hbm>>) target_semaphore(%run_scoped3A : memref<!tpu.dma_semaphore, #tpu.memory_space<semaphore_mem>>)
      %dma_wait3A_428 = arith.constant 0 : i32
      %dma_wait3A_429 = arith.constant 0 : i32
      %dma_wait3A_430 = tpu.memref_slice %arg5[%add3A, %dma_wait3A_428, %dma_wait3A_429] : memref<32x2x16xf32, #tpu.memory_space<hbm>> -> memref<1x2x16xf32, #tpu.memory_space<hbm>>
      %dma_wait3A_431 = tpu.memref_squeeze %dma_wait3A_430 : memref<1x2x16xf32, #tpu.memory_space<hbm>> -> memref<2x16xf32, #tpu.memory_space<hbm>>
      %dma_wait3A_432 = arith.constant 0 : i32
      %dma_wait3A_433 = arith.constant 0 : i32
      %dma_wait3A_434 = tpu.memref_slice %arg5[%add3A, %dma_wait3A_432, %dma_wait3A_433] : memref<32x2x16xf32, #tpu.memory_space<hbm>> -> memref<1x2x16xf32, #tpu.memory_space<hbm>>
      %dma_wait3A_435 = tpu.memref_squeeze %dma_wait3A_434 : memref<1x2x16xf32, #tpu.memory_space<hbm>> -> memref<2x16xf32, #tpu.memory_space<hbm>>
      tpu.wait_dma2 semaphore(%run_scoped3A : memref<!tpu.dma_semaphore, #tpu.memory_space<semaphore_mem>>) src(%arg10 : memref<2x16xf32, #tpu.memory_space<vmem>>) dst(%dma_wait3A_435 : memref<2x16xf32, #tpu.memory_space<hbm>>)
      tpu.yield
    }) : () -> ()
    return
  }
}

</mosaic_0001>

<sc_bundles>
// kernel: kernel.3.cloned.1.call-start
scs
__scs_entry_jumppad:
0x0: {  	(pc) =	sbr.rel $0x88, $3  }
0x1: {  	(tag) =	ssettag $0x0;
	lr =	simm.s32 $0x1  }
0x2: {  	[smem:$0x3F9E] =	sst lr;
	_ =	strace $0xD0000000  }
0x3: {  	_ = 	snop  }
0x4: {  	_ = 	snop  }
0x5: {  	_ = 	snop  }
0x6: {  	_ = 	snop  }
0x7: {  	_ = 	snop  }
__scs_overlays_trampoline_lowered:
0x8: {  	[smem:$0x3FAD] =	sst s0  }
0x9: {  	[smem:$0x3FAE] =	sst s1  }
0xa: {  	[smem:$0x3FAF] =	sst s2  }
0xb: {  	[smem:$0x3FB0] =	sst s3  }
0xc: {  	[smem:$0x3FB1] =	sst s4  }
0xd: {  	[smem:$0x3FB2] =	sst s5  }
0xe: {  	[smem:$0x3FB3] =	sst s6  }
0xf: {  	[smem:$0x3FB4] =	sst s7  }
0x10: {  	[smem:$0x3FB5] =	sst s8  }
0x11: {  	[smem:$0x3FB6] =	sst s9;
	s0 =	simm.s32 @!p0 $0x0  }
0x12: {  	s1 =	sld [smem:$0x3F9C];
	s0 =	simm.s32 @p0 $0x1  }
0x13: {  	[smem:$0x3FB7] =	sst s0;
	s0 =	simm.s32 @!p1 $0x0  }
0x14: {  	s2 =	sld [smem:$0x3F9B];
	s0 =	simm.s32 @p1 $0x1  }
0x15: {  	[smem:$0x3FB8] =	sst s0;
	s0 =	simm.s32 @!p2 $0x0  }
0x16: {  	s3 =	sld [smem:$0x3FDB];
	s0 =	simm.s32 @p2 $0x1  }
0x17: {  	s4 =	simm.s32 $0x1BF5;
	[smem:$0x3FBA] =	sst s0  }
0x18: {  	s0 =	sld [smem:$0x3F9D];
	_ =	swait.ge [sflag:s4], $0x0  }
0x19: {  	s7 =	sld [smem:$0x3F9E]  }
0x1a: {  	s8 =	sadd.s32 $0xFFFFE003, lr  }
0x1b: {  	s9 =	sadd.s32 $0xFFFFFEF7, lr;
	s5 =	simm.s32 $0xFFFFFFFF;
	p2 =	slt.u32 s8, $0xFFFFF086  }
0x1c: {  	p1 =	slt.u32 s9, $0xF7A;
	s5 =	simm.s32 @!p2 $0x0  }
0x1d: {  	s5 =	simm.s32 @p1 $0x1;
	p0 =	seq.s32 s7, s2  }
0x1e: {  	s7 =	smul.u32 @!p0 $0xF7A, s2;
	p2 =	seq.s32 @!p0 s5, $0x0  }
0x1f: {  	s9 =	smul.u32 $0xF7A, s1;
	s8 =	simm.s32 @!p0 $0x1BF5;
	p2 =	por !p2, p0  }
0x20: {  	[sflag:s8] =	ssyncset.s32 @!p0 $0xFFFFF086;
	s6 =	sadd.s32 @!p0 s3, s7;
	s7 =	simm.s32 @!p0 $0x108  }
0x21: {  	s3 =	sadd.s32 s3, s9;
	s6 =	sadd.s32 @!p0 $0x88, s6;
	s7 =	simm.s32 @p2 $0x1082  }
0x22: {  	[simem:s7], [sflag:s8] =	dma.local @!p0 [hbm:s6], $0xF7A  }
0x23: {  	s9 =	sor.u32 $0xD0000000, s2;
	s6 =	simm.s32 $0x108;
	_ =	swait.ge @!p0 [sflag:s8], $0x0  }
0x24: {  	s3 =	sadd.s32 $0x88, s3;
	s6 =	simm.s32 @!p1 $0x1082;
	[sflag:s4] =	ssyncset.s32 $0xFFFFF086  }
0x25: {  	[simem:s6], [sflag:s4] =	dma.local [hbm:s3], $0xF7A  }
0x26: {  	[smem:$0x3F9E] =	sst s1;
	(tag) =	ssettag s2;
	_ =	strace s9  }
0x27: {  	s1 =	sld [smem:$0x3FAE]  }
0x28: {  	s2 =	sld [smem:$0x3FAF]  }
0x29: {  	s4 =	sld [smem:$0x3FB1]  }
0x2a: {  	p0 =	seq.s32 s5, $0x0;
	s5 =	sld [smem:$0x3FB2]  }
0x2b: {  	s6 =	sld [smem:$0x3FB3]  }
0x2c: {  	s7 =	sld [smem:$0x3FB4]  }
0x2d: {  	s3 =	simm.s32 $0x108;
	s8 =	sld [smem:$0x3FB5]  }
0x2e: {  	s3 =	simm.s32 @!p0 $0x1082;
	s9 =	sld [smem:$0x3FB6]  }
0x2f: {  	lr =	sadd.s32 s0, s3;
	s0 =	sld [smem:$0x3FAD]  }
0x30: {  	s3 =	sld [smem:$0x3FB0]  }
0x31: {  	[smem:$0x3FB9] =	sst s10  }
0x32: {  	s10 =	sld [smem:$0x3FB7];
	_ =	sdelay $0x3  }
0x33: {  	p0 =	seq.s32 s10, $0x1;
	s10 =	sld [smem:$0x3FB9];
	_ =	sdelay $0x3  }
0x34: {  	[smem:$0x3FB9] =	sst s10  }
0x35: {  	s10 =	sld [smem:$0x3FB8];
	_ =	sdelay $0x3  }
0x36: {  	p1 =	seq.s32 s10, $0x1;
	s10 =	sld [smem:$0x3FB9];
	_ =	sdelay $0x3  }
0x37: {  	[smem:$0x3FB9] =	sst s10  }
0x38: {  	s10 =	sld [smem:$0x3FBA]  }
0x39: {  	_ = 	snop;
	(pc) =	sbr.ind lr, $3  }
0x3a: {  	_ = 	snop  }
0x3b: {  	_ = 	snop  }
0x3c: {  	p2 =	seq.s32 s10, $0x1;
	s10 =	sld [smem:$0x3FB9]  }
0x3d: {  	_ =	shalt  }
0x3e: {  	_ =	shalt  }
0x3f: {  	_ =	shalt  }
0x40: {  	_ =	shalt  }
0x41: {  	_ =	shalt  }
0x42: {  	_ =	shalt  }
0x43: {  	_ =	shalt  }
0x44: {  	_ =	shalt  }
0x45: {  	_ =	shalt  }
0x46: {  	_ =	shalt  }
0x47: {  	_ =	shalt  }
0x48: {  	_ =	shalt  }
0x49: {  	_ =	shalt  }
0x4a: {  	_ =	shalt  }
0x4b: {  	_ =	shalt  }
0x4c: {  	_ =	shalt  }
0x4d: {  	_ =	shalt  }
0x4e: {  	_ =	shalt  }
0x4f: {  	_ =	shalt  }
0x50: {  	_ =	shalt  }
0x51: {  	_ =	shalt  }
0x52: {  	_ =	shalt  }
0x53: {  	_ =	shalt  }
0x54: {  	_ =	shalt  }
0x55: {  	_ =	shalt  }
0x56: {  	_ =	shalt  }
0x57: {  	_ =	shalt  }
0x58: {  	_ =	shalt  }
0x59: {  	_ =	shalt  }
0x5a: {  	_ =	shalt  }
0x5b: {  	_ =	shalt  }
0x5c: {  	_ =	shalt  }
0x5d: {  	_ =	shalt  }
0x5e: {  	_ =	shalt  }
0x5f: {  	_ =	shalt  }
0x60: {  	_ =	shalt  }
0x61: {  	_ =	shalt  }
0x62: {  	_ =	shalt  }
0x63: {  	_ =	shalt  }
0x64: {  	_ =	shalt  }
0x65: {  	_ =	shalt  }
0x66: {  	_ =	shalt  }
0x67: {  	_ =	shalt  }
0x68: {  	_ =	shalt  }
0x69: {  	_ =	shalt  }
0x6a: {  	_ =	shalt  }
0x6b: {  	_ =	shalt  }
0x6c: {  	_ =	shalt  }
0x6d: {  	_ =	shalt  }
0x6e: {  	_ =	shalt  }
0x6f: {  	_ =	shalt  }
0x70: {  	_ =	shalt  }
0x71: {  	_ =	shalt  }
0x72: {  	_ =	shalt  }
0x73: {  	_ =	shalt  }
0x74: {  	_ =	shalt  }
0x75: {  	_ =	shalt  }
0x76: {  	_ =	shalt  }
0x77: {  	_ =	shalt  }
0x78: {  	_ =	shalt  }
0x79: {  	_ =	shalt  }
0x7a: {  	_ =	shalt  }
0x7b: {  	_ =	shalt  }
0x7c: {  	_ =	shalt  }
0x7d: {  	_ =	shalt  }
0x7e: {  	_ =	shalt  }
0x7f: {  	_ =	shalt  }
0x80: {  	_ =	shalt  }
0x81: {  	_ =	shalt  }
0x82: {  	_ =	shalt  }
0x83: {  	_ =	shalt  }
0x84: {  	_ =	shalt  }
0x85: {  	_ =	shalt  }
0x86: {  	_ =	shalt  }
0x87: {  	_ =	shalt  }
.Lfunc_end0:
.L_simem_size_0:
called_computation_lowered:
.L_overlay_start_0:
0x88: {  	s2 =	sld [smem:$0x3FD9]  }
0x89: {  	s3 =	sld [smem:$0x3FFE];
	_ =	sdelay $0x1  }
0x8a: {  	s1 =	srdreg.scid  }
0x8b: {  	s0 =	sand.u32 $0x1, s1  }
0x8c: {  	s16 =	sshll.u32 s0, $0xA;
	s2 =	sadd.s32 s3, s2  }
0x8d: {  	s2 =	sadd.s32 s2, s16  }
0x8e: {  	[smem:$0x3FC5] =	sst s2  }
0x8f: {  	_ = 	snop  }
0x90: {  	(tm) =	ssettm $0x1  }
0x91: {  	s17 =	sld [smem:$0x3FFB];
	_ =	sdelay $0x3  }
0x92: {  	_ =	strace s17  }
0x93: {  	s2 =	sld [smem:$0x3FFC];
	_ =	sdelay $0x3  }
0x94: {  	_ =	strace s2  }
0x95: {  	s2 =	sld [smem:$0x3FFD];
	_ =	sdelay $0x3  }
0x96: {  	_ =	strace s2  }
0x97: {  	_ =	strace $0x8FFFFFFF  }
0x98: {  	s18 =	sld [smem:$0x3FDB];
	_ =	sdelay $0x1  }
0x99: {  	s19 =	simm.s32 $_scs_section_size  }
0x9a: {  	s4 =	simm.s32 $_size__tile_overlayer_lowered;
	s5 =	simm.s32 $_tile_overlayer_lowered  }
0x9b: {  	s22 =	simm.s32 $0x1BFF;
	s21 =	sshll.u32 s5, $0x1;
	s2 =	sadd.s32 s19, s18  }
0x9c: {  	s6 =	simm.s32 $0x0;
	s20 =	sshll.u32 s4, $0x1;
	s4 =	sadd.s32 s21, s2  }
0x9d: {  	[timem:s6], [sflag:s22] =	dma.local [hbm:s4], s20  }
0x9e: {  	_ =	swait.ge [sflag:s22], s20  }
0x9f: {  	s3 =	ssub.s32 $0x0, s20;
	[sflag:s22] =	ssyncset.done $0x0  }
0xa0: {  	[sflag:s22] =	ssyncadd.s32 s3;
	_ =	sdelay $0x1  }
0xa1: {  	s23 =	simm.s32 $0x1B8B  }
0xa2: {  	_ =	swait.ge [sflag:s23], $0x1  }
0xa3: {  	[sflag:s23] =	ssyncset.done $0x0  }
0xa4: {  	s25 =	simm.s32 $0x1B8E;
	s24 =	sld [smem:$0x3FFE];
	[sflag:s23] =	ssyncadd.s32 $0xFFFFFFFF  }
0xa5: {  	s26 =	simm.s32 $execute0_lowered;
	[smem:$0x3FD2] =	sst s25  }
0xa6: {  	s4 =	sshll.u32 s26, $0x1;
	_ =	strace $0x80000046;
	[dreg:$0x1] =	wrdreg $0xFFFFFFFF  }
0xa7: {  	s28 =	simm.s32 $_size_execute0_lowered;
	s2 =	sadd.s32 s2, s4;
	[dreg:$0x0] =	wrdreg $0x0  }
0xa8: {  	s4 =	sshll.u32 s28, $0x1;
	[dreg:$0x2] =	wrdreg s2  }
0xa9: {  	[dreg:$0x3] =	wrdreg s4  }
0xaa: {  	[dreg:$0x4] =	wrdreg $0xC0  }
0xab: {  	_ =	task [dreg:s6], $0x5FFFF  }
0xac: {  	[dreg:$0x1] =	wrdreg $0xFFFFFFFF  }
0xad: {  	[dreg:$0x0] =	wrdreg $0x60  }
0xae: {  	[dreg:$0x2] =	wrdreg s24  }
0xaf: {  	[dreg:$0x3] =	wrdreg $0x9  }
0xb0: {  	_ =	task.clear_ibuf [dreg:s6], $0x4FFFF;
	_ =	strace $0x90000046  }
0xb1: {  	s29 =	simm.s32 $0x9;
	_ =	strace $0x80000048  }
0xb2: {  	_ =	swait.ge [sflag:s29], $0x1  }
0xb3: {  	[sflag:s29] =	ssyncadd.s32 $0xFFFFFFFF  }
0xb4: {  	_ =	strace $0x90000048  }
0xb5: {  	_ =	sfence  }
0xb6: {  	s30 =	sld [smem:$0x0];
	_ =	sdelay $0x2  }
0xb7: {  	s31 =	sshll.u32 s1, $0xD;
	s1 =	sshrl.u32 s1, $0x2  }
0xb8: {  	s3 =	sand.u32 $0x4000, s31;
	s1 =	sadd.s32 s1, s30  }
0xb9: {  	s0 =	sor.u32 s3, s0;
	s1 =	sshll.u32 s1, $0x11  }
0xba: {  	s0 =	sor.u32 s1, s0  }
0xbb: {  	s0 =	sadd.s32 $0x8F2B, s0  }
0xbc: {  	[sflag:s0] =	ssyncadd.remote.s32 $0x1  }
0xbd: {  	_ =	sfence.sel $0xFFFF  }
0xbe: {  	[dreg:$0x0] =	wrdreg $0xFFFFFFFF;
	(pc) =	sbr.abs _section_cstart, $3  }
0xbf: {  	[dreg:$0x1] =	wrdreg $0xFFFFFFFF  }
0xc0: {  	_ =	task.clear_ibuf [dreg:s6], $0x2FFFF;
	_ =	strace $0x9FFFFFFF  }
0xc1: {  	(tm) =	ssettm $0x7FFFFFFF  }
tec
execute0_lowered:
.L_overlay_start_1:
0x0: {  	(tag) =	ssettag $0x1  }
0x1: {  	s0 =	rddreg [dreg:$0x0];
	s1 =	srdreg.scid  }
0x2: {  	s2 =	simm.s32 $0x0;
	s11 =	stileid.u32;
	s12 =	simm.s32 $0x2  }
0x3: {  	s17 =	simm.s32 $0x80;
	s18 =	simm.s32 $0x1400;
	s20 =	simm.s32 $0x1  }
0x4: {  	s23 =	simm.s32 $0x3180;
	s24 =	simm.s32 $0x2200;
	s28 =	simm.s32 $0x3280  }
0x5: {  	s29 =	simm.s32 $0x2300;
	s30 =	simm.s32 $0x3300;
	s31 =	simm.s32 $0x2380  }
0x6: {  	s13 =	simm.s32 $0x0;
	s1 =	sand.u32 $0x1, s1;
	[smem:$0x7FF] =	sst s2  }
0x7: {  	s26 =	sshll.u32 s11, $0xA;
	s3 =	sshll.u32 s1, $0x4;
	_ =	strace $0x80000047  }
0x8: {  	s5 =	ssub.s32 $0x2, s1;
	s25 =	sshll.u32 s1, $0xE;
	s1 =	simm.s32 $0x3400  }
0x9: {  	s4 =	sor.u32 s11, s3;
	s3 =	sadd.s32 $0x2AF8000, s0;
	s8 =	sshrl.u32 s5, $0x1  }
0xa: {  	s11 =	sor.u32 s26, s25;
	s25 =	simm.s32 $0x3200;
	s26 =	simm.s32 $0x2280  }
0xb: {  	s6 =	sshll.u32 s4, $0x7;
	s7 =	sshll.u32 s4, $0x5;
	s10 =	ssub.s32 s5, s8  }
0xc: {  	s4 =	sadd.s32 s0, s6;
	s0 =	sadd.s32 s7, s0;
	s10 =	smax.u32 s10, $0x1  }
0xd: {  	v0 =	vlaneseq.u32;
	s5 =	sadd.s32 $0x4000, s4;
	s6 =	sadd.s32 $0x1000, s4;
	s7 =	sadd.s32 $0x2000, s4  }
0xe: {  	v0 =	vmul.u32 $0x51, v0;
	s8 =	sadd.s32 $0x3000, s4;
	s9 =	sadd.s32 $0x5000, s0;
	s0 =	simm.s32 $0x3380  }
.LBB2_1:
0xf: {  	[tilespmem:s2], [sflag:$0x2] =	stream.linear.gather [hbm4b:s5+s2], $0x400, $0x38;
	[tilespmem:$0x3500] =	vst v63  }
0x10: {  	_ =	swait.ge [sflag:s12], $0x400  }
0x11: {  	[sflag:s12] =	ssyncset.done $0x0  }
0x12: {  	s14 =	simm.s32 $0x400;
	[sflag:s12] =	ssyncadd.s32 $0xFFFFFC00  }
0x13: {  	[tilespmem:s14], [sflag:$0x2] =	stream.linear.gather [hbm4b:s4+s2], $0x400, $0x38;
	[tilespmem:$0x3500] =	vst v63  }
0x14: {  	_ =	swait.ge [sflag:s12], $0x400  }
0x15: {  	[sflag:s12] =	ssyncset.done $0x0  }
0x16: {  	s15 =	simm.s32 $0x800;
	[sflag:s12] =	ssyncadd.s32 $0xFFFFFC00  }
0x17: {  	[tilespmem:s15], [sflag:$0x2] =	stream.linear.gather [hbm4b:s6+s2], $0x400, $0x38;
	[tilespmem:$0x3500] =	vst v63  }
0x18: {  	_ =	swait.ge [sflag:s12], $0x400  }
0x19: {  	[sflag:s12] =	ssyncset.done $0x0  }
0x1a: {  	s16 =	simm.s32 $0xC00;
	[sflag:s12] =	ssyncadd.s32 $0xFFFFFC00  }
0x1b: {  	[tilespmem:s16], [sflag:$0x2] =	stream.linear.gather [hbm4b:s7+s2], $0x400, $0x38;
	[tilespmem:$0x3500] =	vst v63  }
0x1c: {  	_ =	swait.ge [sflag:s12], $0x400  }
0x1d: {  	[sflag:s12] =	ssyncset.done $0x0  }
0x1e: {  	s19 =	simm.s32 $0x1000;
	[sflag:s12] =	ssyncadd.s32 $0xFFFFFC00  }
0x1f: {  	[tilespmem:s19], [sflag:$0x2] =	stream.linear.gather [hbm4b:s8+s2], $0x400, $0x38;
	[tilespmem:$0x3500] =	vst v63  }
0x20: {  	_ =	swait.ge [sflag:s12], $0x400  }
0x21: {  	[sflag:s12] =	ssyncset.done $0x0  }
0x22: {  	s21 =	sadd.s32 $0x0, s11;
	[sflag:s12] =	ssyncadd.s32 $0xFFFFFC00  }
0x23: {  	v2 =	vmov s21;
	v1 =	vld [tilespmem:s2+$0x0]  }
0x24: {  	v2 =	vmul.u32 $0x51, v2;
	_ =	sdelay $0x1  }
0x25: {  	v2 =	vbroadcast v2, $0x0;
	_ =	sdelay $0x1  }
0x26: {  	v1 =	vadd.s32 v1, v2  }
0x27: {  	v1 =	vadd.s32 v0, v1  }
0x28: {  	v1 =	vshll.u32 v1, $0x2  }
0x29: {  	vm0 =	vlt.s32 v1, $0x9E33FC  }
0x2a: {  	v1 =	vnsel vm0, $0x9E33FC, v1  }
0x2b: {  	s22 =	sand.u32 $0x3F0, s2;
	[tilespmem:s18+$0x0] =	vst v1;
	v2 =	vor.u32 $0x2, v1  }
0x2c: {  	v3 =	vor.u32 $0x1, v1;
	[tilespmem:s22+$0x1C00] =	vst v2  }
0x2d: {  	s21 =	sadd.s32 $0x10, s11;
	s14 =	simm.s32 $0x1400;
	v1 =	vor.u32 $0x3, v1;
	[tilespmem:s22+$0x1800] =	vst v3  }
0x2e: {  	s15 =	simm.s32 $0x10;
	s16 =	simm.s32 $0x10;
	s19 =	simm.s32 $0x20;
	[tilespmem:s22+$0x2000] =	vst v1  }
.LBB2_2:
0x2f: {  	p0 =	sne.s32 s19, $0x3F0;
	v1 =	vld [tilespmem:s16+$0x0];
	v2 =	vmov s21  }
0x30: {  	v2 =	vmul.u32 $0x51, v2;
	_ =	sdelay $0x1  }
0x31: {  	v2 =	vbroadcast v2, $0x0;
	_ =	sdelay $0x1  }
0x32: {  	v1 =	vadd.s32 v1, v2  }
0x33: {  	v1 =	vadd.s32 v0, v1  }
0x34: {  	v1 =	vshll.u32 v1, $0x2  }
0x35: {  	vm0 =	vlt.s32 v1, $0x9E33FC  }
.Ltmp0:
0x36: {  	s14 =	sadd.s32 $0x10, s14;
	v1 =	vnsel vm0, $0x9E33FC, v1;
	(pc) =	sbr.rel @p0 .LBB2_2-.Ltmp0, $4  }
0x37: {  	s22 =	sand.u32 $0x3F0, s15;
	s15 =	smov.u32 s19;
	[tilespmem:s14+$0x0] =	vst v1;
	v2 =	vor.u32 $0x1, v1;
	v3 =	vor.u32 $0x2, v1;
	v1 =	vor.u32 $0x3, v1  }
0x38: {  	[tilespmem:s22+$0x1C00] =	vst v3  }
0x39: {  	[tilespmem:s22+$0x1800] =	vst v2  }
0x3a: {  	s19 =	sadd.s32 $0x10, s19;
	s16 =	sadd.s32 $0x10, s16;
	s21 =	sadd.s32 s15, s11;
	[tilespmem:s22+$0x2000] =	vst v1  }
0x3b: {  	v1 =	vld [tilespmem:s16+$0x0];
	v2 =	vmov s21  }
0x3c: {  	v2 =	vmul.u32 $0x51, v2;
	_ =	sdelay $0x1  }
0x3d: {  	v2 =	vbroadcast v2, $0x0;
	_ =	sdelay $0x1  }
0x3e: {  	v1 =	vadd.s32 v1, v2  }
0x3f: {  	v1 =	vadd.s32 v0, v1  }
0x40: {  	v1 =	vshll.u32 v1, $0x2  }
0x41: {  	vm0 =	vlt.s32 v1, $0x9E33FC  }
0x42: {  	s14 =	sadd.s32 $0x10, s14;
	v1 =	vnsel vm0, $0x9E33FC, v1  }
0x43: {  	s16 =	sand.u32 $0x3F0, s15;
	[tilespmem:s14+$0x0] =	vst v1;
	v2 =	vor.u32 $0x2, v1  }
0x44: {  	v3 =	vor.u32 $0x1, v1;
	[tilespmem:s16+$0x1C00] =	vst v2  }
0x45: {  	v1 =	vor.u32 $0x3, v1;
	[tilespmem:s16+$0x1800] =	vst v3  }
0x46: {  	s19 =	simm.s32 $0x2400;
	[tilespmem:s16+$0x2000] =	vst v1  }
0x47: {  	[tilespmem:s19], [sflag:$0x1] =	stream.indirect.gather [hbm4b:s3+s17], $0x1, s18, s17, $0xb8;
	[tilespmem:$0x3500] =	vst v63  }
0x48: {  	_ =	swait.ge [sflag:s20], $0x80  }
0x49: {  	[sflag:s20] =	ssyncset.done $0x0  }
0x4a: {  	s21 =	simm.s32 $0x1480;
	s22 =	simm.s32 $0x2480;
	[sflag:s20] =	ssyncadd.s32 $0xFFFFFF80  }
0x4b: {  	[tilespmem:s22], [sflag:$0x1] =	stream.indirect.gather [hbm4b:s3+s17], $0x1, s21, s17, $0xb8;
	[tilespmem:$0x3500] =	vst v63  }
0x4c: {  	_ =	swait.ge [sflag:s20], $0x80  }
0x4d: {  	[sflag:s20] =	ssyncset.done $0x0  }
0x4e: {  	s16 =	simm.s32 $0x1500;
	s19 =	simm.s32 $0x2500;
	[sflag:s20] =	ssyncadd.s32 $0xFFFFFF80  }
0x4f: {  	[tilespmem:s19], [sflag:$0x1] =	stream.indirect.gather [hbm4b:s3+s17], $0x1, s16, s17, $0xb8;
	[tilespmem:$0x3500] =	vst v63  }
0x50: {  	_ =	swait.ge [sflag:s20], $0x80  }
0x51: {  	[sflag:s20] =	ssyncset.done $0x0  }
0x52: {  	s21 =	simm.s32 $0x1580;
	s22 =	simm.s32 $0x2580;
	[sflag:s20] =	ssyncadd.s32 $0xFFFFFF80  }
0x53: {  	[tilespmem:s22], [sflag:$0x1] =	stream.indirect.gather [hbm4b:s3+s17], $0x1, s21, s17, $0xb8;
	[tilespmem:$0x3500] =	vst v63  }
0x54: {  	_ =	swait.ge [sflag:s20], $0x80  }
0x55: {  	[sflag:s20] =	ssyncset.done $0x0  }
0x56: {  	s16 =	simm.s32 $0x1600;
	s19 =	simm.s32 $0x2600;
	[sflag:s20] =	ssyncadd.s32 $0xFFFFFF80  }
0x57: {  	[tilespmem:s19], [sflag:$0x1] =	stream.indirect.gather [hbm4b:s3+s17], $0x1, s16, s17, $0xb8;
	[tilespmem:$0x3500] =	vst v63  }
0x58: {  	_ =	swait.ge [sflag:s20], $0x80  }
0x59: {  	[sflag:s20] =	ssyncset.done $0x0  }
0x5a: {  	s21 =	simm.s32 $0x1680;
	s22 =	simm.s32 $0x2680;
	[sflag:s20] =	ssyncadd.s32 $0xFFFFFF80  }
0x5b: {  	[tilespmem:s22], [sflag:$0x1] =	stream.indirect.gather [hbm4b:s3+s17], $0x1, s21, s17, $0xb8;
	[tilespmem:$0x3500] =	vst v63  }
0x5c: {  	_ =	swait.ge [sflag:s20], $0x80  }
0x5d: {  	[sflag:s20] =	ssyncset.done $0x0  }
0x5e: {  	s16 =	simm.s32 $0x1700;
	s19 =	simm.s32 $0x2700;
	[sflag:s20] =	ssyncadd.s32 $0xFFFFFF80  }
0x5f: {  	[tilespmem:s19], [sflag:$0x1] =	stream.indirect.gather [hbm4b:s3+s17], $0x1, s16, s17, $0xb8;
	[tilespmem:$0x3500] =	vst v63  }
0x60: {  	_ =	swait.ge [sflag:s20], $0x80  }
0x61: {  	[sflag:s20] =	ssyncset.done $0x0  }
0x62: {  	s21 =	simm.s32 $0x1780;
	s22 =	simm.s32 $0x2780;
	[sflag:s20] =	ssyncadd.s32 $0xFFFFFF80  }
0x63: {  	[tilespmem:s22], [sflag:$0x1] =	stream.indirect.gather [hbm4b:s3+s17], $0x1, s21, s17, $0xb8;
	[tilespmem:$0x3500] =	vst v63  }
0x64: {  	_ =	swait.ge [sflag:s20], $0x80  }
0x65: {  	[sflag:s20] =	ssyncset.done $0x0  }
0x66: {  	s16 =	simm.s32 $0x1800;
	s19 =	simm.s32 $0x2800;
	[sflag:s20] =	ssyncadd.s32 $0xFFFFFF80  }
0x67: {  	[tilespmem:s19], [sflag:$0x1] =	stream.indirect.gather [hbm4b:s3+s17], $0x1, s16, s17, $0xb8;
	[tilespmem:$0x3500] =	vst v63  }
0x68: {  	_ =	swait.ge [sflag:s20], $0x80  }
0x69: {  	[sflag:s20] =	ssyncset.done $0x0  }
0x6a: {  	s21 =	simm.s32 $0x1880;
	s22 =	simm.s32 $0x2880;
	[sflag:s20] =	ssyncadd.s32 $0xFFFFFF80  }
0x6b: {  	[tilespmem:s22], [sflag:$0x1] =	stream.indirect.gather [hbm4b:s3+s17], $0x1, s21, s17, $0xb8;
	[tilespmem:$0x3500] =	vst v63  }
0x6c: {  	_ =	swait.ge [sflag:s20], $0x80  }
0x6d: {  	[sflag:s20] =	ssyncset.done $0x0  }
0x6e: {  	s16 =	simm.s32 $0x1900;
	s19 =	simm.s32 $0x2900;
	[sflag:s20] =	ssyncadd.s32 $0xFFFFFF80  }
0x6f: {  	[tilespmem:s19], [sflag:$0x1] =	stream.indirect.gather [hbm4b:s3+s17], $0x1, s16, s17, $0xb8;
	[tilespmem:$0x3500] =	vst v63  }
0x70: {  	_ =	swait.ge [sflag:s20], $0x80  }
0x71: {  	[sflag:s20] =	ssyncset.done $0x0  }
0x72: {  	s21 =	simm.s32 $0x1980;
	s22 =	simm.s32 $0x2980;
	[sflag:s20] =	ssyncadd.s32 $0xFFFFFF80  }
0x73: {  	[tilespmem:s22], [sflag:$0x1] =	stream.indirect.gather [hbm4b:s3+s17], $0x1, s21, s17, $0xb8;
	[tilespmem:$0x3500] =	vst v63  }
0x74: {  	_ =	swait.ge [sflag:s20], $0x80  }
0x75: {  	[sflag:s20] =	ssyncset.done $0x0  }
0x76: {  	s16 =	simm.s32 $0x1A00;
	s19 =	simm.s32 $0x2A00;
	[sflag:s20] =	ssyncadd.s32 $0xFFFFFF80  }
0x77: {  	[tilespmem:s19], [sflag:$0x1] =	stream.indirect.gather [hbm4b:s3+s17], $0x1, s16, s17, $0xb8;
	[tilespmem:$0x3500] =	vst v63  }
0x78: {  	_ =	swait.ge [sflag:s20], $0x80  }
0x79: {  	[sflag:s20] =	ssyncset.done $0x0  }
0x7a: {  	s21 =	simm.s32 $0x1A80;
	s22 =	simm.s32 $0x2A80;
	[sflag:s20] =	ssyncadd.s32 $0xFFFFFF80  }
0x7b: {  	[tilespmem:s22], [sflag:$0x1] =	stream.indirect.gather [hbm4b:s3+s17], $0x1, s21, s17, $0xb8;
	[tilespmem:$0x3500] =	vst v63  }
0x7c: {  	_ =	swait.ge [sflag:s20], $0x80  }
0x7d: {  	[sflag:s20] =	ssyncset.done $0x0  }
0x7e: {  	s16 =	simm.s32 $0x1B00;
	s19 =	simm.s32 $0x2B00;
	[sflag:s20] =	ssyncadd.s32 $0xFFFFFF80  }
0x7f: {  	[tilespmem:s19], [sflag:$0x1] =	stream.indirect.gather [hbm4b:s3+s17], $0x1, s16, s17, $0xb8;
	[tilespmem:$0x3500] =	vst v63  }
0x80: {  	_ =	swait.ge [sflag:s20], $0x80  }
0x81: {  	[sflag:s20] =	ssyncset.done $0x0  }
0x82: {  	s21 =	simm.s32 $0x1B80;
	s22 =	simm.s32 $0x2B80;
	[sflag:s20] =	ssyncadd.s32 $0xFFFFFF80  }
0x83: {  	[tilespmem:s22], [sflag:$0x1] =	stream.indirect.gather [hbm4b:s3+s17], $0x1, s21, s17, $0xb8;
	[tilespmem:$0x3500] =	vst v63  }
0x84: {  	_ =	swait.ge [sflag:s20], $0x80  }
0x85: {  	[sflag:s20] =	ssyncset.done $0x0  }
0x86: {  	s16 =	simm.s32 $0x1C00;
	s19 =	simm.s32 $0x2C00;
	[sflag:s20] =	ssyncadd.s32 $0xFFFFFF80  }
0x87: {  	[tilespmem:s19], [sflag:$0x1] =	stream.indirect.gather [hbm4b:s3+s17], $0x1, s16, s17, $0xb8;
	[tilespmem:$0x3500] =	vst v63  }
0x88: {  	_ =	swait.ge [sflag:s20], $0x80  }
0x89: {  	[sflag:s20] =	ssyncset.done $0x0  }
0x8a: {  	s21 =	simm.s32 $0x1C80;
	s22 =	simm.s32 $0x2C80;
	[sflag:s20] =	ssyncadd.s32 $0xFFFFFF80  }
0x8b: {  	[tilespmem:s22], [sflag:$0x1] =	stream.indirect.gather [hbm4b:s3+s17], $0x1, s21, s17, $0xb8;
	[tilespmem:$0x3500] =	vst v63  }
0x8c: {  	_ =	swait.ge [sflag:s20], $0x80  }
0x8d: {  	[sflag:s20] =	ssyncset.done $0x0  }
0x8e: {  	s16 =	simm.s32 $0x1D00;
	s19 =	simm.s32 $0x2D00;
	[sflag:s20] =	ssyncadd.s32 $0xFFFFFF80  }
0x8f: {  	[tilespmem:s19], [sflag:$0x1] =	stream.indirect.gather [hbm4b:s3+s17], $0x1, s16, s17, $0xb8;
	[tilespmem:$0x3500] =	vst v63  }
0x90: {  	_ =	swait.ge [sflag:s20], $0x80  }
0x91: {  	[sflag:s20] =	ssyncset.done $0x0  }
0x92: {  	s21 =	simm.s32 $0x1D80;
	s22 =	simm.s32 $0x2D80;
	[sflag:s20] =	ssyncadd.s32 $0xFFFFFF80  }
0x93: {  	[tilespmem:s22], [sflag:$0x1] =	stream.indirect.gather [hbm4b:s3+s17], $0x1, s21, s17, $0xb8;
	[tilespmem:$0x3500] =	vst v63  }
0x94: {  	_ =	swait.ge [sflag:s20], $0x80  }
0x95: {  	[sflag:s20] =	ssyncset.done $0x0  }
0x96: {  	s16 =	simm.s32 $0x1E00;
	s19 =	simm.s32 $0x2E00;
	[sflag:s20] =	ssyncadd.s32 $0xFFFFFF80  }
0x97: {  	[tilespmem:s19], [sflag:$0x1] =	stream.indirect.gather [hbm4b:s3+s17], $0x1, s16, s17, $0xb8;
	[tilespmem:$0x3500] =	vst v63  }
0x98: {  	_ =	swait.ge [sflag:s20], $0x80  }
0x99: {  	[sflag:s20] =	ssyncset.done $0x0  }
0x9a: {  	s21 =	simm.s32 $0x1E80;
	s22 =	simm.s32 $0x2E80;
	[sflag:s20] =	ssyncadd.s32 $0xFFFFFF80  }
0x9b: {  	[tilespmem:s22], [sflag:$0x1] =	stream.indirect.gather [hbm4b:s3+s17], $0x1, s21, s17, $0xb8;
	[tilespmem:$0x3500] =	vst v63  }
0x9c: {  	_ =	swait.ge [sflag:s20], $0x80  }
0x9d: {  	[sflag:s20] =	ssyncset.done $0x0  }
0x9e: {  	s16 =	simm.s32 $0x1F00;
	s19 =	simm.s32 $0x2F00;
	[sflag:s20] =	ssyncadd.s32 $0xFFFFFF80  }
0x9f: {  	[tilespmem:s19], [sflag:$0x1] =	stream.indirect.gather [hbm4b:s3+s17], $0x1, s16, s17, $0xb8;
	[tilespmem:$0x3500] =	vst v63  }
0xa0: {  	_ =	swait.ge [sflag:s20], $0x80  }
0xa1: {  	[sflag:s20] =	ssyncset.done $0x0  }
0xa2: {  	s21 =	simm.s32 $0x1F80;
	s22 =	simm.s32 $0x2F80;
	[sflag:s20] =	ssyncadd.s32 $0xFFFFFF80  }
0xa3: {  	[tilespmem:s22], [sflag:$0x1] =	stream.indirect.gather [hbm4b:s3+s17], $0x1, s21, s17, $0xb8;
	[tilespmem:$0x3500] =	vst v63  }
0xa4: {  	_ =	swait.ge [sflag:s20], $0x80  }
0xa5: {  	[sflag:s20] =	ssyncset.done $0x0  }
0xa6: {  	s16 =	simm.s32 $0x2000;
	s19 =	simm.s32 $0x3000;
	[sflag:s20] =	ssyncadd.s32 $0xFFFFFF80  }
0xa7: {  	[tilespmem:s19], [sflag:$0x1] =	stream.indirect.gather [hbm4b:s3+s17], $0x1, s16, s17, $0xb8;
	[tilespmem:$0x3500] =	vst v63  }
0xa8: {  	_ =	swait.ge [sflag:s20], $0x80  }
0xa9: {  	[sflag:s20] =	ssyncset.done $0x0  }
0xaa: {  	s21 =	simm.s32 $0x2080;
	s22 =	simm.s32 $0x3080;
	[sflag:s20] =	ssyncadd.s32 $0xFFFFFF80  }
0xab: {  	[tilespmem:s22], [sflag:$0x1] =	stream.indirect.gather [hbm4b:s3+s17], $0x1, s21, s17, $0xb8;
	[tilespmem:$0x3500] =	vst v63  }
0xac: {  	_ =	swait.ge [sflag:s20], $0x80  }
0xad: {  	[sflag:s20] =	ssyncset.done $0x0  }
0xae: {  	s16 =	simm.s32 $0x2100;
	s19 =	simm.s32 $0x3100;
	[sflag:s20] =	ssyncadd.s32 $0xFFFFFF80  }
0xaf: {  	[tilespmem:s19], [sflag:$0x1] =	stream.indirect.gather [hbm4b:s3+s17], $0x1, s16, s17, $0xb8;
	[tilespmem:$0x3500] =	vst v63  }
0xb0: {  	_ =	swait.ge [sflag:s20], $0x80  }
0xb1: {  	[sflag:s20] =	ssyncset.done $0x0  }
0xb2: {  	s21 =	simm.s32 $0x2180;
	[sflag:s20] =	ssyncadd.s32 $0xFFFFFF80  }
0xb3: {  	[tilespmem:s23], [sflag:$0x1] =	stream.indirect.gather [hbm4b:s3+s17], $0x1, s21, s17, $0xb8;
	[tilespmem:$0x3500] =	vst v63  }
0xb4: {  	_ =	swait.ge [sflag:s20], $0x80  }
0xb5: {  	[sflag:s20] =	ssyncset.done $0x0  }
0xb6: {  	[sflag:s20] =	ssyncadd.s32 $0xFFFFFF80  }
0xb7: {  	[tilespmem:s25], [sflag:$0x1] =	stream.indirect.gather [hbm4b:s3+s17], $0x1, s24, s17, $0xb8;
	[tilespmem:$0x3500] =	vst v63  }
0xb8: {  	_ =	swait.ge [sflag:s20], $0x80  }
0xb9: {  	[sflag:s20] =	ssyncset.done $0x0  }
0xba: {  	[sflag:s20] =	ssyncadd.s32 $0xFFFFFF80  }
0xbb: {  	[tilespmem:s28], [sflag:$0x1] =	stream.indirect.gather [hbm4b:s3+s17], $0x1, s26, s17, $0xb8;
	[tilespmem:$0x3500] =	vst v63  }
0xbc: {  	_ =	swait.ge [sflag:s20], $0x80  }
0xbd: {  	[sflag:s20] =	ssyncset.done $0x0  }
0xbe: {  	[sflag:s20] =	ssyncadd.s32 $0xFFFFFF80  }
0xbf: {  	[tilespmem:s30], [sflag:$0x1] =	stream.indirect.gather [hbm4b:s3+s17], $0x1, s29, s17, $0xb8;
	[tilespmem:$0x3500] =	vst v63  }
0xc0: {  	_ =	swait.ge [sflag:s20], $0x80  }
0xc1: {  	[sflag:s20] =	ssyncset.done $0x0  }
0xc2: {  	[sflag:s20] =	ssyncadd.s32 $0xFFFFFF80  }
0xc3: {  	[tilespmem:s0], [sflag:$0x1] =	stream.indirect.gather [hbm4b:s3+s17], $0x1, s31, s17, $0xb8;
	[tilespmem:$0x3500] =	vst v63  }
0xc4: {  	_ =	swait.ge [sflag:s20], $0x80  }
0xc5: {  	[sflag:s20] =	ssyncset.done $0x0  }
0xc6: {  	s22 =	simm.s32 $0x0;
	[sflag:s20] =	ssyncadd.s32 $0xFFFFFF80  }
0xc7: {  	v3 =	vld [tilespmem:s22+$0x0]  }
0xc8: {  	v2 =	vld [tilespmem:s22+$0x3000]  }
0xc9: {  	v1 =	vld [tilespmem:s22+$0x2400]  }
0xca: {  	v4 =	vld [tilespmem:s22+$0x400]  }
0xcb: {  	v5 =	vld [tilespmem:s22+$0x2800]  }
0xcc: {  	v6 =	vld [tilespmem:s22+$0x800]  }
0xcd: {  	v7 =	vld [tilespmem:s22+$0x1000]  }
0xce: {  	v8 =	vld [tilespmem:s22+$0x2C00]  }
0xcf: {  	v9 =	vld [tilespmem:s22+$0xC00]  }
0xd0: {  	v4 =	vsub.f32 v4, v1  }
0xd1: {  	v5 =	vsub.f32 v6, v5  }
0xd2: {  	v1 =	vimm.f32 $0.0e+00;
	vm15 =	vlt.s32 v3, $0x1;
	v10 =	vand.u32 $0x7FFFFFFF, v4  }
0xd3: {  	s14 =	simm.s32 $0x10;
	v6 =	vsub.f32 v7, v2;
	v3 =	vnsel vm15, $0x1, v3;
	v7 =	vmin.f32 v10, $1.000000000e+00  }
0xd4: {  	v2 =	vld [tilespmem:s14+$0x0];
	v17 =	vand.u32 $0x7FFFFFFF, v5;
	v5 =	vsub.f32 v9, v8;
	v9 =	vmul.f32 $5.000000000e-01, v7  }
0xd5: {  	v4 =	vld [tilespmem:s14+$0x3000];
	v8 =	vand.u32 $0x7FFFFFFF, v6;
	v3 =	vcvt.s32.f32 v3;
	v14 =	vmin.f32 v17, $1.000000000e+00  }
0xd6: {  	v6 =	vld [tilespmem:s14+$0x1000];
	v15 =	vmul.f32 $5.000000000e-01, v14;
	v11 =	vand.u32 $0x7FFFFFFF, v5;
	v9 =	vmul.f32 v9, v7  }
0xd7: {  	v10 =	vmax.f32 v10, $1.000000000e+00;
	v12 =	vmin.f32 v8, $1.000000000e+00;
	v5 =	vld [tilespmem:s14+$0x2C00];
	v13 =	vmin.f32 v11, $1.000000000e+00  }
0xd8: {  	v14 =	vmul.f32 v15, v14;
	v7 =	vld [tilespmem:s14+$0xC00];
	v15 =	vmul.f32 $5.000000000e-01, v13;
	v16 =	vadd.f32 v9, v10  }
0xd9: {  	s15 =	simm.s32 $0x80;
	v18 =	vmax.f32 v17, $1.000000000e+00;
	v17 =	vmul.f32 $5.000000000e-01, v12;
	v10 =	vld [tilespmem:s14+$0x2400];
	v9 =	vimm.f32 $0.0e+00  }
.LBB2_4:
0xda: {  	p0 =	sne.s32 s15, $0xFC0;
	v19 =	vld [tilespmem:s14+$0x400];
	v16 =	vadd.f32 $-1.000000000e+00, v16;
	v14 =	vadd.f32 v14, v18;
	v13 =	vmul.f32 v15, v13  }
0xdb: {  	v11 =	vmax.f32 v11, $1.000000000e+00;
	v8 =	vmax.f32 v8, $1.000000000e+00;
	v15 =	vld [tilespmem:s14+$0x2800];
	v12 =	vmul.f32 v17, v12  }
0xdc: {  	v17 =	vld [tilespmem:s14+$0x800];
	v16 =	vmul.f32 v3, v16;
	v14 =	vadd.f32 $-1.000000000e+00, v14;
	v11 =	vadd.f32 v13, v11  }
0xdd: {  	v1 =	vadd.f32 v3, v1;
	v8 =	vadd.f32 v12, v8  }
0xde: {  	v9 =	vadd.f32 v16, v9;
	v12 =	vmul.f32 v3, v14;
	v11 =	vadd.f32 $-1.000000000e+00, v11  }
0xdf: {  	vm0 =	vlt.s32 v2, $0x1;
	v6 =	vsub.f32 v6, v4;
	v10 =	vsub.f32 v19, v10  }
0xe0: {  	v8 =	vadd.f32 $-1.000000000e+00, v8;
	v4 =	vadd.f32 v12, v9;
	v9 =	vmul.f32 v3, v11  }
0xe1: {  	v5 =	vsub.f32 v7, v5;
	v10 =	vand.u32 $0x7FFFFFFF, v10;
	v11 =	vsub.f32 v17, v15  }
0xe2: {  	s14 =	sshra.s32 s15, $0x2;
	v3 =	vmul.f32 v3, v8;
	v7 =	vmin.f32 v10, $1.000000000e+00;
	v9 =	vadd.f32 v9, v4  }
0xe3: {  	v17 =	vnsel vm0, $0x1, v2;
	v2 =	vld [tilespmem:s14+$0x0];
	v12 =	vmul.f32 $5.000000000e-01, v7;
	v18 =	vand.u32 $0x7FFFFFFF, v11  }
.Ltmp1:
0xe4: {  	v8 =	vand.u32 $0x7FFFFFFF, v6;
	v4 =	vld [tilespmem:s14+$0x3000];
	v14 =	vmin.f32 v18, $1.000000000e+00;
	v9 =	vadd.f32 v3, v9;
	(pc) =	sbr.rel @p0 .LBB2_4-.Ltmp1, $4  }
0xe5: {  	v11 =	vand.u32 $0x7FFFFFFF, v5;
	v6 =	vld [tilespmem:s14+$0x1000];
	v3 =	vmul.f32 v12, v7;
	v15 =	vmul.f32 $5.000000000e-01, v14  }
0xe6: {  	v10 =	vmax.f32 v10, $1.000000000e+00;
	v13 =	vmin.f32 v11, $1.000000000e+00;
	v12 =	vmin.f32 v8, $1.000000000e+00;
	v5 =	vld [tilespmem:s14+$0x2C00]  }
0xe7: {  	v7 =	vld [tilespmem:s14+$0xC00];
	v16 =	vadd.f32 v3, v10;
	v14 =	vmul.f32 v15, v14;
	v15 =	vmul.f32 $5.000000000e-01, v13  }
0xe8: {  	s15 =	sadd.s32 $0x40, s15;
	v18 =	vmax.f32 v18, $1.000000000e+00;
	v3 =	vcvt.s32.f32 v17;
	v17 =	vmul.f32 $5.000000000e-01, v12;
	v10 =	vld [tilespmem:s14+$0x2400]  }
0xe9: {  	v19 =	vld [tilespmem:s14+$0x400];
	v16 =	vadd.f32 $-1.000000000e+00, v16  }
0xea: {  	v14 =	vadd.f32 v14, v18;
	v13 =	vmul.f32 v15, v13;
	v47 =	vld [tilespmem:s14+$0x2800];
	v11 =	vmax.f32 v11, $1.000000000e+00  }
0xeb: {  	v8 =	vmax.f32 v8, $1.000000000e+00;
	v48 =	vld [tilespmem:s14+$0x800];
	vm0 =	vlt.s32 v2, $0x1;
	v12 =	vmul.f32 v17, v12  }
0xec: {  	v4 =	vsub.f32 v6, v4;
	v2 =	vnsel vm0, $0x1, v2;
	v14 =	vadd.f32 $-1.000000000e+00, v14  }
0xed: {  	v16 =	vmul.f32 v3, v16;
	v11 =	vadd.f32 v13, v11;
	v8 =	vadd.f32 v12, v8  }
0xee: {  	v5 =	vsub.f32 v7, v5;
	v4 =	vand.u32 $0x7FFFFFFF, v4;
	v10 =	vsub.f32 v19, v10  }
0xef: {  	v9 =	vadd.f32 v16, v9;
	v49 =	vmul.f32 v3, v14;
	v11 =	vadd.f32 $-1.000000000e+00, v11  }
0xf0: {  	v8 =	vadd.f32 $-1.000000000e+00, v8;
	v52 =	vsub.f32 v48, v47;
	v10 =	vand.u32 $0x7FFFFFFF, v10  }
0xf1: {  	v5 =	vand.u32 $0x7FFFFFFF, v5;
	v50 =	vadd.f32 v49, v9;
	v53 =	vmin.f32 v10, $1.000000000e+00  }
0xf2: {  	v51 =	vmul.f32 v3, v11;
	v11 =	vand.u32 $0x7FFFFFFF, v52;
	v54 =	vmul.f32 $5.000000000e-01, v53  }
0xf3: {  	v58 =	vmin.f32 v5, $1.000000000e+00;
	v8 =	vmul.f32 v3, v8;
	v55 =	vmin.f32 v11, $1.000000000e+00  }
0xf4: {  	v6 =	vadd.f32 v51, v50;
	v56 =	vmul.f32 $5.000000000e-01, v55;
	v7 =	vmul.f32 v54, v53  }
0xf5: {  	v59 =	vmin.f32 v4, $1.000000000e+00;
	v60 =	vmul.f32 $5.000000000e-01, v58;
	v57 =	vmax.f32 v10, $1.000000000e+00  }
0xf6: {  	v6 =	vadd.f32 v8, v6;
	v8 =	vmul.f32 v56, v55;
	v7 =	vadd.f32 v7, v57  }
0xf7: {  	v2 =	vcvt.s32.f32 v2;
	v61 =	vmul.f32 $5.000000000e-01, v59;
	v11 =	vmax.f32 v11, $1.000000000e+00  }
0xf8: {  	v9 =	vmul.f32 v60, v58;
	v8 =	vadd.f32 v8, v11;
	v7 =	vadd.f32 $-1.000000000e+00, v7  }
0xf9: {  	v4 =	vmax.f32 v4, $1.000000000e+00;
	v5 =	vmax.f32 v5, $1.000000000e+00;
	v62 =	vmul.f32 v61, v59  }
0xfa: {  	v5 =	vadd.f32 v9, v5;
	v8 =	vadd.f32 $-1.000000000e+00, v8;
	v7 =	vmul.f32 v2, v7  }
0xfb: {  	v4 =	vadd.f32 v62, v4  }
0xfc: {  	v5 =	vadd.f32 $-1.000000000e+00, v5;
	v63 =	vmul.f32 v2, v8;
	v6 =	vadd.f32 v7, v6  }
0xfd: {  	v1 =	vadd.f32 v3, v1  }
0xfe: {  	v4 =	vadd.f32 $-1.000000000e+00, v4;
	v5 =	vmul.f32 v2, v5;
	v6 =	vadd.f32 v63, v6  }
0xff: {  	v1 =	vadd.f32 v2, v1  }
0x100: {  	v4 =	vmul.f32 v2, v4;
	v3 =	vadd.f32 v5, v6  }
0x101: {  	v1 =	vmul.f32 $4.000000000e+00, v1  }
0x102: {  	s13 =	sadd.s32 $0x1, s13;
	v2 =	vadd.f32 v4, v3  }
0x103: {  	p0 =	sne.s32 s13, s10;
	[tilespmem:$0x3480] =	vst v1  }
.Ltmp2:
0x104: {  	[tilespmem:$0x3400] =	vst v2;
	(pc) =	sbr.rel @p0 .LBB2_1-.Ltmp2, $4  }
0x105: {  	[hbm4b:s9+s2] =	stream.linear.scatter [tilespmem:s1], [sflag:$0x2], $0x100, $0x38;
	[tilespmem:$0x3500] =	vst v63  }
0x106: {  	_ =	swait.ge [sflag:s12], $0x100  }
0x107: {  	[sflag:s12] =	ssyncset.done $0x0  }
0x108: {  	[sflag:s12] =	ssyncadd.s32 $0xFFFFFF00  }
0x109: {  	_ =	sfence.sel $0x180000  }
0x10a: {  	[bflag:$0x0] =	sbarrier.arrive $0xFFFF  }
0x10b: {  	_ =	strace $0x90000047  }
0x10c: {  	s0 =	stileid.u32;
	[bflag:$0x2] =	sbarrier.arrive $0xFFFF  }
0x10d: {  	p0 =	sne.s32 s0, $0x0;
	s0 =	rddreg [dreg:$0x1]  }
0x10e: {  	s0 =	sadd.s32 @!p0 $0x100000, s0  }
0x10f: {  	[sflag:s0] =	ssyncadd.tile.s32 @!p0 $0x1;
	_ =	shalt  }
.Lfunc_end2:
_tile_overlayer_lowered:
.L_overlay_start_2:
0x110: {  	(tag) =	ssettag $0x2  }
0x111: {  	s0 =	rddreg [dreg:$0x0];
	s2 =	stileid.u32  }
0x112: {  	s1 =	rddreg [dreg:$0x1];
	p0 =	sne.s32 s2, $0x0  }
0x113: {  	s3 =	rddreg [dreg:$0x2];
	[bflag:$0x3] =	sbarrier.arrive $0xFFFF;
	s2 =	simm.s32 @!p0 $0x1C02  }
0x114: {  	[timem:s3], [sflag:s2] =	dma.local @!p0 [hbm:s0], s1  }
0x115: {  	s0 =	simm.s32 @!p0 $0x2  }
0x116: {  	_ =	swait.ge @!p0 [sflag:s0], s1  }
0x117: {  	s1 =	ssub.s32 @!p0 $0x0, s1;
	[sflag:s0] =	ssyncset.done @!p0 $0x0  }
0x118: {  	[sflag:s0] =	ssyncadd.s32 @!p0 s1  }
0x119: {  	[bflag:$0x3] =	sbarrier.arrive $0xFFFF  }
0x11a: {  	_ =	shalt  }

</sc_bundles>
